<compile_context>
chip_gen: v7x
topology: tpu7x:2x2x1
jax: 0.10.2.dev20260603
libtpu: 0.0.44.dev20260713+nightly
codegen_flags: <defaults>
</compile_context>

<pallas_src>
import functools

import jax
import jax.numpy as jnp
from jax import lax
from jax.experimental import pallas as pl
from jax.experimental.pallas import tpu as pltpu
from jax.experimental.pallas import tpu_sc as plsc

_N_WORKERS = 32
_NBUF = 3
_TW = 32768
_BW = 512


def _table_to_rowmajor(table_t, v, d):
    q = _TW // 4
    n_blocks = pl.cdiv(v, _TW)

    def body(in_ref, out_ref):
        x = in_ref[...]
        a = jnp.concatenate([x[:, c * q : (c + 1) * q] for c in range(4)], axis=0)
        eye = jnp.eye(4 * d, dtype=jnp.float32)
        dn = (((0,), (0,)), ((), ()))
        out_ref[...] = lax.dot_general(a, eye, dn, preferred_element_type=jnp.float32)

    return pl.pallas_call(
        body,
        grid=(n_blocks,),
        in_specs=[pl.BlockSpec((d, _TW), lambda i: (0, i))],
        out_specs=pl.BlockSpec((q, 4 * d), lambda i: (i, 0)),
        out_shape=jax.ShapeDtypeStruct((n_blocks * q, 4 * d), jnp.float32),
    )(table_t)


def _out_to_native(out_packed, b, f, d):
    q = _BW // 4
    n_blocks = b // _BW
    k_sub = min(32, n_blocks)

    def body(in_ref, out_ref):
        x = in_ref[0]
        eye = jnp.eye(4 * d, dtype=jnp.float32)
        dn = (((0,), (0,)), ((), ()))
        pieces = []
        for k in range(k_sub):
            t = lax.dot_general(
                x[k * q : (k + 1) * q, :],
                eye,
                dn,
                preferred_element_type=jnp.float32,
            )
            pieces.extend(t[c * d : (c + 1) * d, :] for c in range(4))
        out_ref[0] = jnp.concatenate(pieces, axis=1)

    return pl.pallas_call(
        body,
        grid=(f, n_blocks // k_sub),
        in_specs=[pl.BlockSpec((1, k_sub * q, 4 * d), lambda j, i: (j, i, 0))],
        out_specs=pl.BlockSpec((1, d, k_sub * _BW), lambda j, i: (j, 0, i)),
        out_shape=jax.ShapeDtypeStruct((f, d, b), jnp.float32),
    )(out_packed)


def _sc_gather(n_rows, chunk, d):
    b_per_w = n_rows // _N_WORKERS
    n_chunks = b_per_w // chunk
    mesh = plsc.VectorSubcoreMesh(core_axis_name="c", subcore_axis_name="s")

    @functools.partial(
        pl.kernel,
        mesh=mesh,
        compiler_params=pltpu.CompilerParams(use_tc_tiling_on_sc=False),
        out_type=jax.ShapeDtypeStruct((n_rows, d), jnp.float32),
        scratch_types=[
            pltpu.VMEM((n_chunks, chunk), jnp.int32),
            *[pltpu.VMEM((chunk, d), jnp.float32) for _ in range(_NBUF)],
            *[pltpu.SemaphoreType.DMA for _ in range(2 * _NBUF)],
        ],
    )
    def k(idx_hbm, table_hbm, out_hbm, idx_v, *bufs_and_sems):
        rows = bufs_and_sems[:_NBUF]
        gsems = bufs_and_sems[_NBUF : 2 * _NBUF]
        ssems = bufs_and_sems[2 * _NBUF :]

        cid = lax.axis_index("c")
        sid = lax.axis_index("s")
        wid = sid * 2 + cid
        base = wid * b_per_w

        pltpu.sync_copy(idx_hbm.at[pl.ds(wid * n_chunks, n_chunks)], idx_v)

        g_copies = {}
        s_copies = {}

        def start_gather(c):
            slot = c % _NBUF
            g_copies[c] = pltpu.async_copy(
                table_hbm.at[idx_v.at[c]], rows[slot], gsems[slot]
            )

        def start_store(c):
            slot = c % _NBUF
            s_copies[c] = pltpu.async_copy(
                rows[slot], out_hbm.at[pl.ds(base + c * chunk, chunk)], ssems[slot]
            )

        start_gather(0)
        if n_chunks > 1:
            start_gather(1)
        for g in range(n_chunks):
            g_copies[g].wait()
            start_store(g)
            c = g + 2
            if c < n_chunks:
                if c - _NBUF >= 0:
                    s_copies[c - _NBUF].wait()
                start_gather(c)
        for c in range(max(0, n_chunks - _NBUF), n_chunks):
            s_copies[c].wait()

    return k


def _prep_idx(x, b, f, n_rows):
    s = jnp.arange(_BW, dtype=jnp.int32)
    perm = (s % 4) * (_BW // 4) + s // 4
    xq = jnp.take(x.T.reshape(f, b // _BW, _BW), perm, axis=2)
    xv = xq.astype(jnp.int32).reshape(n_rows)
    tq = _TW // 4
    i_blk = xv // _TW
    rem = xv % _TW
    return i_blk * _TW + (rem % tq) * 4 + rem // tq


def kernel(x, table):
    b, f = x.shape
    v, d = table.shape
    n_rows = b * f
    chunk = 1024

    table_rm = _table_to_rowmajor(table.T, v, d)
    v_pad = 4 * table_rm.shape[0]

    idx = _prep_idx(x, b, f, n_rows).reshape(n_rows // chunk, chunk)

    out_rows = _sc_gather(n_rows, chunk, d)(idx, table_rm.reshape(v_pad, d))

    out_packed = out_rows.reshape(f, b * d // 128, 128)
    out_phys = _out_to_native(out_packed, b, f, d)
    return jnp.transpose(out_phys, (2, 0, 1))

# --- scband reference (transcript-rebuilt; emitter-appended) ---
"""Pipeline reference for scband-categorical-embedding-3908420240090 (READ-ONLY COPY).

The authoritative reference and input builder live on the scoring server;
editing this copy changes nothing except your own understanding.
"""

import jax, jax.numpy as jnp
import numpy as np

NUM_CATEGORIES = 1000000
EMBED_DIM = 32
BATCH = 16384
N_FIELDS = 26


def setup_inputs(seed: int = 0) -> dict:
    key = jax.random.key(seed)
    k_idx, k_tab = jax.random.split(key)
    x = jax.random.randint(k_idx, (BATCH, N_FIELDS), 0, NUM_CATEGORIES, dtype=jnp.int64 if jax.config.jax_enable_x64 else jnp.int32)
    table = jax.random.normal(k_tab, (NUM_CATEGORIES, EMBED_DIM), dtype=jnp.float32) * 0.02
    return {"x": x, "table": table}


def reference(x, table):
    # CategoricalEmbedding.forward: y = scale_embedding(x); y = dropout(y)
    # dropout p=0.0 (eval) -> identity
    y = jnp.take(table, x, axis=0)  # (B, F, D)
    return y

if __name__ == "__main__":
    import jax
    _d = setup_inputs()
    print(jax.jit(kernel)(*tuple(_d.values())))

</pallas_src>

<mosaic_0001>
#map = affine_map<(d0, d1) -> (0, 0)>
module attributes {stable_mosaic.version = 14 : i64} {
  func.func @k(%arg0: i32, %arg1: i32, %arg2: memref<416x1024xi32, #tpu.memory_space<hbm>>, %arg3: memref<1015808x32xf32, #tpu.memory_space<hbm>>, %arg4: memref<425984x32xf32, #tpu.memory_space<hbm>>, %arg5: memref<13x1024xi32, #tpu.memory_space<vmem>>, %arg6: memref<1024x32xf32, #tpu.memory_space<vmem>>, %arg7: memref<1024x32xf32, #tpu.memory_space<vmem>>, %arg8: memref<1024x32xf32, #tpu.memory_space<vmem>>, %arg9: memref<!tpu.dma_semaphore, #tpu.memory_space<semaphore_mem>>, %arg10: memref<!tpu.dma_semaphore, #tpu.memory_space<semaphore_mem>>, %arg11: memref<!tpu.dma_semaphore, #tpu.memory_space<semaphore_mem>>, %arg12: memref<!tpu.dma_semaphore, #tpu.memory_space<semaphore_mem>>, %arg13: memref<!tpu.dma_semaphore, #tpu.memory_space<semaphore_mem>>, %arg14: memref<!tpu.dma_semaphore, #tpu.memory_space<semaphore_mem>>) attributes {dimension_semantics = [#tpu.dimension_semantics<core_parallel>, #tpu.dimension_semantics<subcore_parallel>], iteration_bounds = array<i64: 2, 16>, scalar_prefetch = 0 : i64, scratch_operands = 10 : i64, tpu.core_type = #tpu.core_type<sc_vector_subcore>, window_params = [{transform_indices = #map}, {transform_indices = #map}, {transform_indices = #map}]} {
    %mul3A = arith.constant 2 : i32
    %mul3A_0 = arith.muli %arg1, %mul3A : i32
    %add3A = arith.addi %mul3A_0, %arg0 : i32
    %mul3A_1 = arith.constant 13312 : i32
    %mul3A_2 = arith.muli %add3A, %mul3A_1 : i32
    %mul3A_3 = arith.constant 13 : i32
    %mul3A_4 = arith.muli %add3A, %mul3A_3 : i32
    "tpu.region"() ({
      %run_scoped3A = tpu.sem_alloc : memref<!tpu.dma_semaphore, #tpu.memory_space<semaphore_mem>>
      %dma_start3A_315 = arith.constant 0 : i32
      %dma_start3A_316 = tpu.memref_slice %arg2[%mul3A_4, %dma_start3A_315] : memref<416x1024xi32, #tpu.memory_space<hbm>> -> memref<13x1024xi32, #tpu.memory_space<hbm>>
      %dma_start3A_317 = arith.constant 0 : i32
      %dma_start3A_318 = tpu.memref_slice %arg2[%mul3A_4, %dma_start3A_317] : memref<416x1024xi32, #tpu.memory_space<hbm>> -> memref<13x1024xi32, #tpu.memory_space<hbm>>
      tpu.enqueue_dma source(%dma_start3A_318 : memref<13x1024xi32, #tpu.memory_space<hbm>>) target(%arg5 : memref<13x1024xi32, #tpu.memory_space<vmem>>) target_semaphore(%run_scoped3A : memref<!tpu.dma_semaphore, #tpu.memory_space<semaphore_mem>>)
      %dma_wait3A_319 = arith.constant 0 : i32
      %dma_wait3A_320 = tpu.memref_slice %arg2[%mul3A_4, %dma_wait3A_319] : memref<416x1024xi32, #tpu.memory_space<hbm>> -> memref<13x1024xi32, #tpu.memory_space<hbm>>
      %dma_wait3A_321 = arith.constant 0 : i32
      %dma_wait3A_322 = tpu.memref_slice %arg2[%mul3A_4, %dma_wait3A_321] : memref<416x1024xi32, #tpu.memory_space<hbm>> -> memref<13x1024xi32, #tpu.memory_space<hbm>>
      tpu.wait_dma2 semaphore(%run_scoped3A : memref<!tpu.dma_semaphore, #tpu.memory_space<semaphore_mem>>) src(%dma_wait3A_322 : memref<13x1024xi32, #tpu.memory_space<hbm>>) dst(%arg5 : memref<13x1024xi32, #tpu.memory_space<vmem>>)
      tpu.yield
    }) : () -> ()
    %dma_start3A = arith.constant 0 : i32
    %dma_start3A_5 = arith.constant 0 : i32
    %dma_start3A_6 = tpu.memref_slice %arg5[%dma_start3A, %dma_start3A_5] : memref<13x1024xi32, #tpu.memory_space<vmem>> -> memref<1x1024xi32, #tpu.memory_space<vmem>>
    %dma_start3A_7 = tpu.memref_squeeze %dma_start3A_6 : memref<1x1024xi32, #tpu.memory_space<vmem>> -> memref<1024xi32, #tpu.memory_space<vmem>>
    %dma_start3A_8 = arith.constant 0 : i32
    %dma_start3A_9 = arith.constant 0 : i32
    %dma_start3A_10 = tpu.memref_slice %arg3[%dma_start3A_8, %dma_start3A_9] : memref<1015808x32xf32, #tpu.memory_space<hbm>> -> memref<1015808x32xf32, #tpu.memory_space<hbm>>
    tpu.enqueue_indirect_dma source(%dma_start3A_10 : memref<1015808x32xf32, #tpu.memory_space<hbm>>) target(%arg6 : memref<1024x32xf32, #tpu.memory_space<vmem>>) offsets(%dma_start3A_7 : memref<1024xi32, #tpu.memory_space<vmem>>) semaphore(%arg9 : memref<!tpu.dma_semaphore, #tpu.memory_space<semaphore_mem>>)
    %dma_start3A_11 = arith.constant 1 : i32
    %dma_start3A_12 = arith.constant 0 : i32
    %dma_start3A_13 = tpu.memref_slice %arg5[%dma_start3A_11, %dma_start3A_12] : memref<13x1024xi32, #tpu.memory_space<vmem>> -> memref<1x1024xi32, #tpu.memory_space<vmem>>
    %dma_start3A_14 = tpu.memref_squeeze %dma_start3A_13 : memref<1x1024xi32, #tpu.memory_space<vmem>> -> memref<1024xi32, #tpu.memory_space<vmem>>
    %dma_start3A_15 = arith.constant 0 : i32
    %dma_start3A_16 = arith.constant 0 : i32
    %dma_start3A_17 = tpu.memref_slice %arg3[%dma_start3A_15, %dma_start3A_16] : memref<1015808x32xf32, #tpu.memory_space<hbm>> -> memref<1015808x32xf32, #tpu.memory_space<hbm>>
    tpu.enqueue_indirect_dma source(%dma_start3A_17 : memref<1015808x32xf32, #tpu.memory_space<hbm>>) target(%arg7 : memref<1024x32xf32, #tpu.memory_space<vmem>>) offsets(%dma_start3A_14 : memref<1024xi32, #tpu.memory_space<vmem>>) semaphore(%arg10 : memref<!tpu.dma_semaphore, #tpu.memory_space<semaphore_mem>>)
    %dma_wait3A = arith.constant 0 : i32
    %dma_wait3A_18 = arith.constant 0 : i32
    %dma_wait3A_19 = tpu.memref_slice %arg5[%dma_wait3A, %dma_wait3A_18] : memref<13x1024xi32, #tpu.memory_space<vmem>> -> memref<1x1024xi32, #tpu.memory_space<vmem>>
    %dma_wait3A_20 = tpu.memref_squeeze %dma_wait3A_19 : memref<1x1024xi32, #tpu.memory_space<vmem>> -> memref<1024xi32, #tpu.memory_space<vmem>>
    %dma_wait3A_21 = arith.constant 0 : i32
    %dma_wait3A_22 = arith.constant 0 : i32
    %dma_wait3A_23 = tpu.memref_slice %arg3[%dma_wait3A_21, %dma_wait3A_22] : memref<1015808x32xf32, #tpu.memory_space<hbm>> -> memref<1015808x32xf32, #tpu.memory_space<hbm>>
    tpu.wait_indirect_dma semaphore(%arg9 : memref<!tpu.dma_semaphore, #tpu.memory_space<semaphore_mem>>) src(%dma_wait3A_23 : memref<1015808x32xf32, #tpu.memory_space<hbm>>) dst(%arg6 : memref<1024x32xf32, #tpu.memory_space<vmem>>)
    %add3A_24 = arith.constant 0 : i32
    %add3A_25 = arith.addi %mul3A_2, %add3A_24 : i32
    %dma_start3A_26 = arith.constant 0 : i32
    %dma_start3A_27 = tpu.memref_slice %arg4[%add3A_25, %dma_start3A_26] : memref<425984x32xf32, #tpu.memory_space<hbm>> -> memref<1024x32xf32, #tpu.memory_space<hbm>>
    %dma_start3A_28 = arith.constant 0 : i32
    %dma_start3A_29 = tpu.memref_slice %arg4[%add3A_25, %dma_start3A_28] : memref<425984x32xf32, #tpu.memory_space<hbm>> -> memref<1024x32xf32, #tpu.memory_space<hbm>>
    tpu.enqueue_dma source(%arg6 : memref<1024x32xf32, #tpu.memory_space<vmem>>) target(%dma_start3A_29 : memref<1024x32xf32, #tpu.memory_space<hbm>>) target_semaphore(%arg12 : memref<!tpu.dma_semaphore, #tpu.memory_space<semaphore_mem>>)
    %dma_start3A_30 = arith.constant 2 : i32
    %dma_start3A_31 = arith.constant 0 : i32
    %dma_start3A_32 = tpu.memref_slice %arg5[%dma_start3A_30, %dma_start3A_31] : memref<13x1024xi32, #tpu.memory_space<vmem>> -> memref<1x1024xi32, #tpu.memory_space<vmem>>
    %dma_start3A_33 = tpu.memref_squeeze %dma_start3A_32 : memref<1x1024xi32, #tpu.memory_space<vmem>> -> memref<1024xi32, #tpu.memory_space<vmem>>
    %dma_start3A_34 = arith.constant 0 : i32
    %dma_start3A_35 = arith.constant 0 : i32
    %dma_start3A_36 = tpu.memref_slice %arg3[%dma_start3A_34, %dma_start3A_35] : memref<1015808x32xf32, #tpu.memory_space<hbm>> -> memref<1015808x32xf32, #tpu.memory_space<hbm>>
    tpu.enqueue_indirect_dma source(%dma_start3A_36 : memref<1015808x32xf32, #tpu.memory_space<hbm>>) target(%arg8 : memref<1024x32xf32, #tpu.memory_space<vmem>>) offsets(%dma_start3A_33 : memref<1024xi32, #tpu.memory_space<vmem>>) semaphore(%arg11 : memref<!tpu.dma_semaphore, #tpu.memory_space<semaphore_mem>>)
    %dma_wait3A_37 = arith.constant 1 : i32
    %dma_wait3A_38 = arith.constant 0 : i32
    %dma_wait3A_39 = tpu.memref_slice %arg5[%dma_wait3A_37, %dma_wait3A_38] : memref<13x1024xi32, #tpu.memory_space<vmem>> -> memref<1x1024xi32, #tpu.memory_space<vmem>>
    %dma_wait3A_40 = tpu.memref_squeeze %dma_wait3A_39 : memref<1x1024xi32, #tpu.memory_space<vmem>> -> memref<1024xi32, #tpu.memory_space<vmem>>
    %dma_wait3A_41 = arith.constant 0 : i32
    %dma_wait3A_42 = arith.constant 0 : i32
    %dma_wait3A_43 = tpu.memref_slice %arg3[%dma_wait3A_41, %dma_wait3A_42] : memref<1015808x32xf32, #tpu.memory_space<hbm>> -> memref<1015808x32xf32, #tpu.memory_space<hbm>>
    tpu.wait_indirect_dma semaphore(%arg10 : memref<!tpu.dma_semaphore, #tpu.memory_space<semaphore_mem>>) src(%dma_wait3A_43 : memref<1015808x32xf32, #tpu.memory_space<hbm>>) dst(%arg7 : memref<1024x32xf32, #tpu.memory_space<vmem>>)
    %add3A_44 = arith.constant 1024 : i32
    %add3A_45 = arith.addi %mul3A_2, %add3A_44 : i32
    %dma_start3A_46 = arith.constant 0 : i32
    %dma_start3A_47 = tpu.memref_slice %arg4[%add3A_45, %dma_start3A_46] : memref<425984x32xf32, #tpu.memory_space<hbm>> -> memref<1024x32xf32, #tpu.memory_space<hbm>>
    %dma_start3A_48 = arith.constant 0 : i32
    %dma_start3A_49 = tpu.memref_slice %arg4[%add3A_45, %dma_start3A_48] : memref<425984x32xf32, #tpu.memory_space<hbm>> -> memref<1024x32xf32, #tpu.memory_space<hbm>>
    tpu.enqueue_dma source(%arg7 : memref<1024x32xf32, #tpu.memory_space<vmem>>) target(%dma_start3A_49 : memref<1024x32xf32, #tpu.memory_space<hbm>>) target_semaphore(%arg13 : memref<!tpu.dma_semaphore, #tpu.memory_space<semaphore_mem>>)
    %dma_wait3A_50 = arith.constant 0 : i32
    %dma_wait3A_51 = tpu.memref_slice %arg4[%add3A_25, %dma_wait3A_50] : memref<425984x32xf32, #tpu.memory_space<hbm>> -> memref<1024x32xf32, #tpu.memory_space<hbm>>
    %dma_wait3A_52 = arith.constant 0 : i32
    %dma_wait3A_53 = tpu.memref_slice %arg4[%add3A_25, %dma_wait3A_52] : memref<425984x32xf32, #tpu.memory_space<hbm>> -> memref<1024x32xf32, #tpu.memory_space<hbm>>
    tpu.wait_dma2 semaphore(%arg12 : memref<!tpu.dma_semaphore, #tpu.memory_space<semaphore_mem>>) src(%arg6 : memref<1024x32xf32, #tpu.memory_space<vmem>>) dst(%dma_wait3A_53 : memref<1024x32xf32, #tpu.memory_space<hbm>>)
    %dma_start3A_54 = arith.constant 3 : i32
    %dma_start3A_55 = arith.constant 0 : i32
    %dma_start3A_56 = tpu.memref_slice %arg5[%dma_start3A_54, %dma_start3A_55] : memref<13x1024xi32, #tpu.memory_space<vmem>> -> memref<1x1024xi32, #tpu.memory_space<vmem>>
    %dma_start3A_57 = tpu.memref_squeeze %dma_start3A_56 : memref<1x1024xi32, #tpu.memory_space<vmem>> -> memref<1024xi32, #tpu.memory_space<vmem>>
    %dma_start3A_58 = arith.constant 0 : i32
    %dma_start3A_59 = arith.constant 0 : i32
    %dma_start3A_60 = tpu.memref_slice %arg3[%dma_start3A_58, %dma_start3A_59] : memref<1015808x32xf32, #tpu.memory_space<hbm>> -> memref<1015808x32xf32, #tpu.memory_space<hbm>>
    tpu.enqueue_indirect_dma source(%dma_start3A_60 : memref<1015808x32xf32, #tpu.memory_space<hbm>>) target(%arg6 : memref<1024x32xf32, #tpu.memory_space<vmem>>) offsets(%dma_start3A_57 : memref<1024xi32, #tpu.memory_space<vmem>>) semaphore(%arg9 : memref<!tpu.dma_semaphore, #tpu.memory_space<semaphore_mem>>)
    %dma_wait3A_61 = arith.constant 2 : i32
    %dma_wait3A_62 = arith.constant 0 : i32
    %dma_wait3A_63 = tpu.memref_slice %arg5[%dma_wait3A_61, %dma_wait3A_62] : memref<13x1024xi32, #tpu.memory_space<vmem>> -> memref<1x1024xi32, #tpu.memory_space<vmem>>
    %dma_wait3A_64 = tpu.memref_squeeze %dma_wait3A_63 : memref<1x1024xi32, #tpu.memory_space<vmem>> -> memref<1024xi32, #tpu.memory_space<vmem>>
    %dma_wait3A_65 = arith.constant 0 : i32
    %dma_wait3A_66 = arith.constant 0 : i32
    %dma_wait3A_67 = tpu.memref_slice %arg3[%dma_wait3A_65, %dma_wait3A_66] : memref<1015808x32xf32, #tpu.memory_space<hbm>> -> memref<1015808x32xf32, #tpu.memory_space<hbm>>
    tpu.wait_indirect_dma semaphore(%arg11 : memref<!tpu.dma_semaphore, #tpu.memory_space<semaphore_mem>>) src(%dma_wait3A_67 : memref<1015808x32xf32, #tpu.memory_space<hbm>>) dst(%arg8 : memref<1024x32xf32, #tpu.memory_space<vmem>>)
    %add3A_68 = arith.constant 2048 : i32
    %add3A_69 = arith.addi %mul3A_2, %add3A_68 : i32
    %dma_start3A_70 = arith.constant 0 : i32
    %dma_start3A_71 = tpu.memref_slice %arg4[%add3A_69, %dma_start3A_70] : memref<425984x32xf32, #tpu.memory_space<hbm>> -> memref<1024x32xf32, #tpu.memory_space<hbm>>
    %dma_start3A_72 = arith.constant 0 : i32
    %dma_start3A_73 = tpu.memref_slice %arg4[%add3A_69, %dma_start3A_72] : memref<425984x32xf32, #tpu.memory_space<hbm>> -> memref<1024x32xf32, #tpu.memory_space<hbm>>
    tpu.enqueue_dma source(%arg8 : memref<1024x32xf32, #tpu.memory_space<vmem>>) target(%dma_start3A_73 : memref<1024x32xf32, #tpu.memory_space<hbm>>) target_semaphore(%arg14 : memref<!tpu.dma_semaphore, #tpu.memory_space<semaphore_mem>>)
    %dma_wait3A_74 = arith.constant 0 : i32
    %dma_wait3A_75 = tpu.memref_slice %arg4[%add3A_45, %dma_wait3A_74] : memref<425984x32xf32, #tpu.memory_space<hbm>> -> memref<1024x32xf32, #tpu.memory_space<hbm>>
    %dma_wait3A_76 = arith.constant 0 : i32
    %dma_wait3A_77 = tpu.memref_slice %arg4[%add3A_45, %dma_wait3A_76] : memref<425984x32xf32, #tpu.memory_space<hbm>> -> memref<1024x32xf32, #tpu.memory_space<hbm>>
    tpu.wait_dma2 semaphore(%arg13 : memref<!tpu.dma_semaphore, #tpu.memory_space<semaphore_mem>>) src(%arg7 : memref<1024x32xf32, #tpu.memory_space<vmem>>) dst(%dma_wait3A_77 : memref<1024x32xf32, #tpu.memory_space<hbm>>)
    %dma_start3A_78 = arith.constant 4 : i32
    %dma_start3A_79 = arith.constant 0 : i32
    %dma_start3A_80 = tpu.memref_slice %arg5[%dma_start3A_78, %dma_start3A_79] : memref<13x1024xi32, #tpu.memory_space<vmem>> -> memref<1x1024xi32, #tpu.memory_space<vmem>>
    %dma_start3A_81 = tpu.memref_squeeze %dma_start3A_80 : memref<1x1024xi32, #tpu.memory_space<vmem>> -> memref<1024xi32, #tpu.memory_space<vmem>>
    %dma_start3A_82 = arith.constant 0 : i32
    %dma_start3A_83 = arith.constant 0 : i32
    %dma_start3A_84 = tpu.memref_slice %arg3[%dma_start3A_82, %dma_start3A_83] : memref<1015808x32xf32, #tpu.memory_space<hbm>> -> memref<1015808x32xf32, #tpu.memory_space<hbm>>
    tpu.enqueue_indirect_dma source(%dma_start3A_84 : memref<1015808x32xf32, #tpu.memory_space<hbm>>) target(%arg7 : memref<1024x32xf32, #tpu.memory_space<vmem>>) offsets(%dma_start3A_81 : memref<1024xi32, #tpu.memory_space<vmem>>) semaphore(%arg10 : memref<!tpu.dma_semaphore, #tpu.memory_space<semaphore_mem>>)
    %dma_wait3A_85 = arith.constant 3 : i32
    %dma_wait3A_86 = arith.constant 0 : i32
    %dma_wait3A_87 = tpu.memref_slice %arg5[%dma_wait3A_85, %dma_wait3A_86] : memref<13x1024xi32, #tpu.memory_space<vmem>> -> memref<1x1024xi32, #tpu.memory_space<vmem>>
    %dma_wait3A_88 = tpu.memref_squeeze %dma_wait3A_87 : memref<1x1024xi32, #tpu.memory_space<vmem>> -> memref<1024xi32, #tpu.memory_space<vmem>>
    %dma_wait3A_89 = arith.constant 0 : i32
    %dma_wait3A_90 = arith.constant 0 : i32
    %dma_wait3A_91 = tpu.memref_slice %arg3[%dma_wait3A_89, %dma_wait3A_90] : memref<1015808x32xf32, #tpu.memory_space<hbm>> -> memref<1015808x32xf32, #tpu.memory_space<hbm>>
    tpu.wait_indirect_dma semaphore(%arg9 : memref<!tpu.dma_semaphore, #tpu.memory_space<semaphore_mem>>) src(%dma_wait3A_91 : memref<1015808x32xf32, #tpu.memory_space<hbm>>) dst(%arg6 : memref<1024x32xf32, #tpu.memory_space<vmem>>)
    %add3A_92 = arith.constant 3072 : i32
    %add3A_93 = arith.addi %mul3A_2, %add3A_92 : i32
    %dma_start3A_94 = arith.constant 0 : i32
    %dma_start3A_95 = tpu.memref_slice %arg4[%add3A_93, %dma_start3A_94] : memref<425984x32xf32, #tpu.memory_space<hbm>> -> memref<1024x32xf32, #tpu.memory_space<hbm>>
    %dma_start3A_96 = arith.constant 0 : i32
    %dma_start3A_97 = tpu.memref_slice %arg4[%add3A_93, %dma_start3A_96] : memref<425984x32xf32, #tpu.memory_space<hbm>> -> memref<1024x32xf32, #tpu.memory_space<hbm>>
    tpu.enqueue_dma source(%arg6 : memref<1024x32xf32, #tpu.memory_space<vmem>>) target(%dma_start3A_97 : memref<1024x32xf32, #tpu.memory_space<hbm>>) target_semaphore(%arg12 : memref<!tpu.dma_semaphore, #tpu.memory_space<semaphore_mem>>)
    %dma_wait3A_98 = arith.constant 0 : i32
    %dma_wait3A_99 = tpu.memref_slice %arg4[%add3A_69, %dma_wait3A_98] : memref<425984x32xf32, #tpu.memory_space<hbm>> -> memref<1024x32xf32, #tpu.memory_space<hbm>>
    %dma_wait3A_100 = arith.constant 0 : i32
    %dma_wait3A_101 = tpu.memref_slice %arg4[%add3A_69, %dma_wait3A_100] : memref<425984x32xf32, #tpu.memory_space<hbm>> -> memref<1024x32xf32, #tpu.memory_space<hbm>>
    tpu.wait_dma2 semaphore(%arg14 : memref<!tpu.dma_semaphore, #tpu.memory_space<semaphore_mem>>) src(%arg8 : memref<1024x32xf32, #tpu.memory_space<vmem>>) dst(%dma_wait3A_101 : memref<1024x32xf32, #tpu.memory_space<hbm>>)
    %dma_start3A_102 = arith.constant 5 : i32
    %dma_start3A_103 = arith.constant 0 : i32
    %dma_start3A_104 = tpu.memref_slice %arg5[%dma_start3A_102, %dma_start3A_103] : memref<13x1024xi32, #tpu.memory_space<vmem>> -> memref<1x1024xi32, #tpu.memory_space<vmem>>
    %dma_start3A_105 = tpu.memref_squeeze %dma_start3A_104 : memref<1x1024xi32, #tpu.memory_space<vmem>> -> memref<1024xi32, #tpu.memory_space<vmem>>
    %dma_start3A_106 = arith.constant 0 : i32
    %dma_start3A_107 = arith.constant 0 : i32
    %dma_start3A_108 = tpu.memref_slice %arg3[%dma_start3A_106, %dma_start3A_107] : memref<1015808x32xf32, #tpu.memory_space<hbm>> -> memref<1015808x32xf32, #tpu.memory_space<hbm>>
    tpu.enqueue_indirect_dma source(%dma_start3A_108 : memref<1015808x32xf32, #tpu.memory_space<hbm>>) target(%arg8 : memref<1024x32xf32, #tpu.memory_space<vmem>>) offsets(%dma_start3A_105 : memref<1024xi32, #tpu.memory_space<vmem>>) semaphore(%arg11 : memref<!tpu.dma_semaphore, #tpu.memory_space<semaphore_mem>>)
    %dma_wait3A_109 = arith.constant 4 : i32
    %dma_wait3A_110 = arith.constant 0 : i32
    %dma_wait3A_111 = tpu.memref_slice %arg5[%dma_wait3A_109, %dma_wait3A_110] : memref<13x1024xi32, #tpu.memory_space<vmem>> -> memref<1x1024xi32, #tpu.memory_space<vmem>>
    %dma_wait3A_112 = tpu.memref_squeeze %dma_wait3A_111 : memref<1x1024xi32, #tpu.memory_space<vmem>> -> memref<1024xi32, #tpu.memory_space<vmem>>
    %dma_wait3A_113 = arith.constant 0 : i32
    %dma_wait3A_114 = arith.constant 0 : i32
    %dma_wait3A_115 = tpu.memref_slice %arg3[%dma_wait3A_113, %dma_wait3A_114] : memref<1015808x32xf32, #tpu.memory_space<hbm>> -> memref<1015808x32xf32, #tpu.memory_space<hbm>>
    tpu.wait_indirect_dma semaphore(%arg10 : memref<!tpu.dma_semaphore, #tpu.memory_space<semaphore_mem>>) src(%dma_wait3A_115 : memref<1015808x32xf32, #tpu.memory_space<hbm>>) dst(%arg7 : memref<1024x32xf32, #tpu.memory_space<vmem>>)
    %add3A_116 = arith.constant 4096 : i32
    %add3A_117 = arith.addi %mul3A_2, %add3A_116 : i32
    %dma_start3A_118 = arith.constant 0 : i32
    %dma_start3A_119 = tpu.memref_slice %arg4[%add3A_117, %dma_start3A_118] : memref<425984x32xf32, #tpu.memory_space<hbm>> -> memref<1024x32xf32, #tpu.memory_space<hbm>>
    %dma_start3A_120 = arith.constant 0 : i32
    %dma_start3A_121 = tpu.memref_slice %arg4[%add3A_117, %dma_start3A_120] : memref<425984x32xf32, #tpu.memory_space<hbm>> -> memref<1024x32xf32, #tpu.memory_space<hbm>>
    tpu.enqueue_dma source(%arg7 : memref<1024x32xf32, #tpu.memory_space<vmem>>) target(%dma_start3A_121 : memref<1024x32xf32, #tpu.memory_space<hbm>>) target_semaphore(%arg13 : memref<!tpu.dma_semaphore, #tpu.memory_space<semaphore_mem>>)
    %dma_wait3A_122 = arith.constant 0 : i32
    %dma_wait3A_123 = tpu.memref_slice %arg4[%add3A_93, %dma_wait3A_122] : memref<425984x32xf32, #tpu.memory_space<hbm>> -> memref<1024x32xf32, #tpu.memory_space<hbm>>
    %dma_wait3A_124 = arith.constant 0 : i32
    %dma_wait3A_125 = tpu.memref_slice %arg4[%add3A_93, %dma_wait3A_124] : memref<425984x32xf32, #tpu.memory_space<hbm>> -> memref<1024x32xf32, #tpu.memory_space<hbm>>
    tpu.wait_dma2 semaphore(%arg12 : memref<!tpu.dma_semaphore, #tpu.memory_space<semaphore_mem>>) src(%arg6 : memref<1024x32xf32, #tpu.memory_space<vmem>>) dst(%dma_wait3A_125 : memref<1024x32xf32, #tpu.memory_space<hbm>>)
    %dma_start3A_126 = arith.constant 6 : i32
    %dma_start3A_127 = arith.constant 0 : i32
    %dma_start3A_128 = tpu.memref_slice %arg5[%dma_start3A_126, %dma_start3A_127] : memref<13x1024xi32, #tpu.memory_space<vmem>> -> memref<1x1024xi32, #tpu.memory_space<vmem>>
    %dma_start3A_129 = tpu.memref_squeeze %dma_start3A_128 : memref<1x1024xi32, #tpu.memory_space<vmem>> -> memref<1024xi32, #tpu.memory_space<vmem>>
    %dma_start3A_130 = arith.constant 0 : i32
    %dma_start3A_131 = arith.constant 0 : i32
    %dma_start3A_132 = tpu.memref_slice %arg3[%dma_start3A_130, %dma_start3A_131] : memref<1015808x32xf32, #tpu.memory_space<hbm>> -> memref<1015808x32xf32, #tpu.memory_space<hbm>>
    tpu.enqueue_indirect_dma source(%dma_start3A_132 : memref<1015808x32xf32, #tpu.memory_space<hbm>>) target(%arg6 : memref<1024x32xf32, #tpu.memory_space<vmem>>) offsets(%dma_start3A_129 : memref<1024xi32, #tpu.memory_space<vmem>>) semaphore(%arg9 : memref<!tpu.dma_semaphore, #tpu.memory_space<semaphore_mem>>)
    %dma_wait3A_133 = arith.constant 5 : i32
    %dma_wait3A_134 = arith.constant 0 : i32
    %dma_wait3A_135 = tpu.memref_slice %arg5[%dma_wait3A_133, %dma_wait3A_134] : memref<13x1024xi32, #tpu.memory_space<vmem>> -> memref<1x1024xi32, #tpu.memory_space<vmem>>
    %dma_wait3A_136 = tpu.memref_squeeze %dma_wait3A_135 : memref<1x1024xi32, #tpu.memory_space<vmem>> -> memref<1024xi32, #tpu.memory_space<vmem>>
    %dma_wait3A_137 = arith.constant 0 : i32
    %dma_wait3A_138 = arith.constant 0 : i32
    %dma_wait3A_139 = tpu.memref_slice %arg3[%dma_wait3A_137, %dma_wait3A_138] : memref<1015808x32xf32, #tpu.memory_space<hbm>> -> memref<1015808x32xf32, #tpu.memory_space<hbm>>
    tpu.wait_indirect_dma semaphore(%arg11 : memref<!tpu.dma_semaphore, #tpu.memory_space<semaphore_mem>>) src(%dma_wait3A_139 : memref<1015808x32xf32, #tpu.memory_space<hbm>>) dst(%arg8 : memref<1024x32xf32, #tpu.memory_space<vmem>>)
    %add3A_140 = arith.constant 5120 : i32
    %add3A_141 = arith.addi %mul3A_2, %add3A_140 : i32
    %dma_start3A_142 = arith.constant 0 : i32
    %dma_start3A_143 = tpu.memref_slice %arg4[%add3A_141, %dma_start3A_142] : memref<425984x32xf32, #tpu.memory_space<hbm>> -> memref<1024x32xf32, #tpu.memory_space<hbm>>
    %dma_start3A_144 = arith.constant 0 : i32
    %dma_start3A_145 = tpu.memref_slice %arg4[%add3A_141, %dma_start3A_144] : memref<425984x32xf32, #tpu.memory_space<hbm>> -> memref<1024x32xf32, #tpu.memory_space<hbm>>
    tpu.enqueue_dma source(%arg8 : memref<1024x32xf32, #tpu.memory_space<vmem>>) target(%dma_start3A_145 : memref<1024x32xf32, #tpu.memory_space<hbm>>) target_semaphore(%arg14 : memref<!tpu.dma_semaphore, #tpu.memory_space<semaphore_mem>>)
    %dma_wait3A_146 = arith.constant 0 : i32
    %dma_wait3A_147 = tpu.memref_slice %arg4[%add3A_117, %dma_wait3A_146] : memref<425984x32xf32, #tpu.memory_space<hbm>> -> memref<1024x32xf32, #tpu.memory_space<hbm>>
    %dma_wait3A_148 = arith.constant 0 : i32
    %dma_wait3A_149 = tpu.memref_slice %arg4[%add3A_117, %dma_wait3A_148] : memref<425984x32xf32, #tpu.memory_space<hbm>> -> memref<1024x32xf32, #tpu.memory_space<hbm>>
    tpu.wait_dma2 semaphore(%arg13 : memref<!tpu.dma_semaphore, #tpu.memory_space<semaphore_mem>>) src(%arg7 : memref<1024x32xf32, #tpu.memory_space<vmem>>) dst(%dma_wait3A_149 : memref<1024x32xf32, #tpu.memory_space<hbm>>)
    %dma_start3A_150 = arith.constant 7 : i32
    %dma_start3A_151 = arith.constant 0 : i32
    %dma_start3A_152 = tpu.memref_slice %arg5[%dma_start3A_150, %dma_start3A_151] : memref<13x1024xi32, #tpu.memory_space<vmem>> -> memref<1x1024xi32, #tpu.memory_space<vmem>>
    %dma_start3A_153 = tpu.memref_squeeze %dma_start3A_152 : memref<1x1024xi32, #tpu.memory_space<vmem>> -> memref<1024xi32, #tpu.memory_space<vmem>>
    %dma_start3A_154 = arith.constant 0 : i32
    %dma_start3A_155 = arith.constant 0 : i32
    %dma_start3A_156 = tpu.memref_slice %arg3[%dma_start3A_154, %dma_start3A_155] : memref<1015808x32xf32, #tpu.memory_space<hbm>> -> memref<1015808x32xf32, #tpu.memory_space<hbm>>
    tpu.enqueue_indirect_dma source(%dma_start3A_156 : memref<1015808x32xf32, #tpu.memory_space<hbm>>) target(%arg7 : memref<1024x32xf32, #tpu.memory_space<vmem>>) offsets(%dma_start3A_153 : memref<1024xi32, #tpu.memory_space<vmem>>) semaphore(%arg10 : memref<!tpu.dma_semaphore, #tpu.memory_space<semaphore_mem>>)
    %dma_wait3A_157 = arith.constant 6 : i32
    %dma_wait3A_158 = arith.constant 0 : i32
    %dma_wait3A_159 = tpu.memref_slice %arg5[%dma_wait3A_157, %dma_wait3A_158] : memref<13x1024xi32, #tpu.memory_space<vmem>> -> memref<1x1024xi32, #tpu.memory_space<vmem>>
    %dma_wait3A_160 = tpu.memref_squeeze %dma_wait3A_159 : memref<1x1024xi32, #tpu.memory_space<vmem>> -> memref<1024xi32, #tpu.memory_space<vmem>>
    %dma_wait3A_161 = arith.constant 0 : i32
    %dma_wait3A_162 = arith.constant 0 : i32
    %dma_wait3A_163 = tpu.memref_slice %arg3[%dma_wait3A_161, %dma_wait3A_162] : memref<1015808x32xf32, #tpu.memory_space<hbm>> -> memref<1015808x32xf32, #tpu.memory_space<hbm>>
    tpu.wait_indirect_dma semaphore(%arg9 : memref<!tpu.dma_semaphore, #tpu.memory_space<semaphore_mem>>) src(%dma_wait3A_163 : memref<1015808x32xf32, #tpu.memory_space<hbm>>) dst(%arg6 : memref<1024x32xf32, #tpu.memory_space<vmem>>)
    %add3A_164 = arith.constant 6144 : i32
    %add3A_165 = arith.addi %mul3A_2, %add3A_164 : i32
    %dma_start3A_166 = arith.constant 0 : i32
    %dma_start3A_167 = tpu.memref_slice %arg4[%add3A_165, %dma_start3A_166] : memref<425984x32xf32, #tpu.memory_space<hbm>> -> memref<1024x32xf32, #tpu.memory_space<hbm>>
    %dma_start3A_168 = arith.constant 0 : i32
    %dma_start3A_169 = tpu.memref_slice %arg4[%add3A_165, %dma_start3A_168] : memref<425984x32xf32, #tpu.memory_space<hbm>> -> memref<1024x32xf32, #tpu.memory_space<hbm>>
    tpu.enqueue_dma source(%arg6 : memref<1024x32xf32, #tpu.memory_space<vmem>>) target(%dma_start3A_169 : memref<1024x32xf32, #tpu.memory_space<hbm>>) target_semaphore(%arg12 : memref<!tpu.dma_semaphore, #tpu.memory_space<semaphore_mem>>)
    %dma_wait3A_170 = arith.constant 0 : i32
    %dma_wait3A_171 = tpu.memref_slice %arg4[%add3A_141, %dma_wait3A_170] : memref<425984x32xf32, #tpu.memory_space<hbm>> -> memref<1024x32xf32, #tpu.memory_space<hbm>>
    %dma_wait3A_172 = arith.constant 0 : i32
    %dma_wait3A_173 = tpu.memref_slice %arg4[%add3A_141, %dma_wait3A_172] : memref<425984x32xf32, #tpu.memory_space<hbm>> -> memref<1024x32xf32, #tpu.memory_space<hbm>>
    tpu.wait_dma2 semaphore(%arg14 : memref<!tpu.dma_semaphore, #tpu.memory_space<semaphore_mem>>) src(%arg8 : memref<1024x32xf32, #tpu.memory_space<vmem>>) dst(%dma_wait3A_173 : memref<1024x32xf32, #tpu.memory_space<hbm>>)
    %dma_start3A_174 = arith.constant 8 : i32
    %dma_start3A_175 = arith.constant 0 : i32
    %dma_start3A_176 = tpu.memref_slice %arg5[%dma_start3A_174, %dma_start3A_175] : memref<13x1024xi32, #tpu.memory_space<vmem>> -> memref<1x1024xi32, #tpu.memory_space<vmem>>
    %dma_start3A_177 = tpu.memref_squeeze %dma_start3A_176 : memref<1x1024xi32, #tpu.memory_space<vmem>> -> memref<1024xi32, #tpu.memory_space<vmem>>
    %dma_start3A_178 = arith.constant 0 : i32
    %dma_start3A_179 = arith.constant 0 : i32
    %dma_start3A_180 = tpu.memref_slice %arg3[%dma_start3A_178, %dma_start3A_179] : memref<1015808x32xf32, #tpu.memory_space<hbm>> -> memref<1015808x32xf32, #tpu.memory_space<hbm>>
    tpu.enqueue_indirect_dma source(%dma_start3A_180 : memref<1015808x32xf32, #tpu.memory_space<hbm>>) target(%arg8 : memref<1024x32xf32, #tpu.memory_space<vmem>>) offsets(%dma_start3A_177 : memref<1024xi32, #tpu.memory_space<vmem>>) semaphore(%arg11 : memref<!tpu.dma_semaphore, #tpu.memory_space<semaphore_mem>>)
    %dma_wait3A_181 = arith.constant 7 : i32
    %dma_wait3A_182 = arith.constant 0 : i32
    %dma_wait3A_183 = tpu.memref_slice %arg5[%dma_wait3A_181, %dma_wait3A_182] : memref<13x1024xi32, #tpu.memory_space<vmem>> -> memref<1x1024xi32, #tpu.memory_space<vmem>>
    %dma_wait3A_184 = tpu.memref_squeeze %dma_wait3A_183 : memref<1x1024xi32, #tpu.memory_space<vmem>> -> memref<1024xi32, #tpu.memory_space<vmem>>
    %dma_wait3A_185 = arith.constant 0 : i32
    %dma_wait3A_186 = arith.constant 0 : i32
    %dma_wait3A_187 = tpu.memref_slice %arg3[%dma_wait3A_185, %dma_wait3A_186] : memref<1015808x32xf32, #tpu.memory_space<hbm>> -> memref<1015808x32xf32, #tpu.memory_space<hbm>>
    tpu.wait_indirect_dma semaphore(%arg10 : memref<!tpu.dma_semaphore, #tpu.memory_space<semaphore_mem>>) src(%dma_wait3A_187 : memref<1015808x32xf32, #tpu.memory_space<hbm>>) dst(%arg7 : memref<1024x32xf32, #tpu.memory_space<vmem>>)
    %add3A_188 = arith.constant 7168 : i32
    %add3A_189 = arith.addi %mul3A_2, %add3A_188 : i32
    %dma_start3A_190 = arith.constant 0 : i32
    %dma_start3A_191 = tpu.memref_slice %arg4[%add3A_189, %dma_start3A_190] : memref<425984x32xf32, #tpu.memory_space<hbm>> -> memref<1024x32xf32, #tpu.memory_space<hbm>>
    %dma_start3A_192 = arith.constant 0 : i32
    %dma_start3A_193 = tpu.memref_slice %arg4[%add3A_189, %dma_start3A_192] : memref<425984x32xf32, #tpu.memory_space<hbm>> -> memref<1024x32xf32, #tpu.memory_space<hbm>>
    tpu.enqueue_dma source(%arg7 : memref<1024x32xf32, #tpu.memory_space<vmem>>) target(%dma_start3A_193 : memref<1024x32xf32, #tpu.memory_space<hbm>>) target_semaphore(%arg13 : memref<!tpu.dma_semaphore, #tpu.memory_space<semaphore_mem>>)
    %dma_wait3A_194 = arith.constant 0 : i32
    %dma_wait3A_195 = tpu.memref_slice %arg4[%add3A_165, %dma_wait3A_194] : memref<425984x32xf32, #tpu.memory_space<hbm>> -> memref<1024x32xf32, #tpu.memory_space<hbm>>
    %dma_wait3A_196 = arith.constant 0 : i32
    %dma_wait3A_197 = tpu.memref_slice %arg4[%add3A_165, %dma_wait3A_196] : memref<425984x32xf32, #tpu.memory_space<hbm>> -> memref<1024x32xf32, #tpu.memory_space<hbm>>
    tpu.wait_dma2 semaphore(%arg12 : memref<!tpu.dma_semaphore, #tpu.memory_space<semaphore_mem>>) src(%arg6 : memref<1024x32xf32, #tpu.memory_space<vmem>>) dst(%dma_wait3A_197 : memref<1024x32xf32, #tpu.memory_space<hbm>>)
    %dma_start3A_198 = arith.constant 9 : i32
    %dma_start3A_199 = arith.constant 0 : i32
    %dma_start3A_200 = tpu.memref_slice %arg5[%dma_start3A_198, %dma_start3A_199] : memref<13x1024xi32, #tpu.memory_space<vmem>> -> memref<1x1024xi32, #tpu.memory_space<vmem>>
    %dma_start3A_201 = tpu.memref_squeeze %dma_start3A_200 : memref<1x1024xi32, #tpu.memory_space<vmem>> -> memref<1024xi32, #tpu.memory_space<vmem>>
    %dma_start3A_202 = arith.constant 0 : i32
    %dma_start3A_203 = arith.constant 0 : i32
    %dma_start3A_204 = tpu.memref_slice %arg3[%dma_start3A_202, %dma_start3A_203] : memref<1015808x32xf32, #tpu.memory_space<hbm>> -> memref<1015808x32xf32, #tpu.memory_space<hbm>>
    tpu.enqueue_indirect_dma source(%dma_start3A_204 : memref<1015808x32xf32, #tpu.memory_space<hbm>>) target(%arg6 : memref<1024x32xf32, #tpu.memory_space<vmem>>) offsets(%dma_start3A_201 : memref<1024xi32, #tpu.memory_space<vmem>>) semaphore(%arg9 : memref<!tpu.dma_semaphore, #tpu.memory_space<semaphore_mem>>)
    %dma_wait3A_205 = arith.constant 8 : i32
    %dma_wait3A_206 = arith.constant 0 : i32
    %dma_wait3A_207 = tpu.memref_slice %arg5[%dma_wait3A_205, %dma_wait3A_206] : memref<13x1024xi32, #tpu.memory_space<vmem>> -> memref<1x1024xi32, #tpu.memory_space<vmem>>
    %dma_wait3A_208 = tpu.memref_squeeze %dma_wait3A_207 : memref<1x1024xi32, #tpu.memory_space<vmem>> -> memref<1024xi32, #tpu.memory_space<vmem>>
    %dma_wait3A_209 = arith.constant 0 : i32
    %dma_wait3A_210 = arith.constant 0 : i32
    %dma_wait3A_211 = tpu.memref_slice %arg3[%dma_wait3A_209, %dma_wait3A_210] : memref<1015808x32xf32, #tpu.memory_space<hbm>> -> memref<1015808x32xf32, #tpu.memory_space<hbm>>
    tpu.wait_indirect_dma semaphore(%arg11 : memref<!tpu.dma_semaphore, #tpu.memory_space<semaphore_mem>>) src(%dma_wait3A_211 : memref<1015808x32xf32, #tpu.memory_space<hbm>>) dst(%arg8 : memref<1024x32xf32, #tpu.memory_space<vmem>>)
    %add3A_212 = arith.constant 8192 : i32
    %add3A_213 = arith.addi %mul3A_2, %add3A_212 : i32
    %dma_start3A_214 = arith.constant 0 : i32
    %dma_start3A_215 = tpu.memref_slice %arg4[%add3A_213, %dma_start3A_214] : memref<425984x32xf32, #tpu.memory_space<hbm>> -> memref<1024x32xf32, #tpu.memory_space<hbm>>
    %dma_start3A_216 = arith.constant 0 : i32
    %dma_start3A_217 = tpu.memref_slice %arg4[%add3A_213, %dma_start3A_216] : memref<425984x32xf32, #tpu.memory_space<hbm>> -> memref<1024x32xf32, #tpu.memory_space<hbm>>
    tpu.enqueue_dma source(%arg8 : memref<1024x32xf32, #tpu.memory_space<vmem>>) target(%dma_start3A_217 : memref<1024x32xf32, #tpu.memory_space<hbm>>) target_semaphore(%arg14 : memref<!tpu.dma_semaphore, #tpu.memory_space<semaphore_mem>>)
    %dma_wait3A_218 = arith.constant 0 : i32
    %dma_wait3A_219 = tpu.memref_slice %arg4[%add3A_189, %dma_wait3A_218] : memref<425984x32xf32, #tpu.memory_space<hbm>> -> memref<1024x32xf32, #tpu.memory_space<hbm>>
    %dma_wait3A_220 = arith.constant 0 : i32
    %dma_wait3A_221 = tpu.memref_slice %arg4[%add3A_189, %dma_wait3A_220] : memref<425984x32xf32, #tpu.memory_space<hbm>> -> memref<1024x32xf32, #tpu.memory_space<hbm>>
    tpu.wait_dma2 semaphore(%arg13 : memref<!tpu.dma_semaphore, #tpu.memory_space<semaphore_mem>>) src(%arg7 : memref<1024x32xf32, #tpu.memory_space<vmem>>) dst(%dma_wait3A_221 : memref<1024x32xf32, #tpu.memory_space<hbm>>)
    %dma_start3A_222 = arith.constant 10 : i32
    %dma_start3A_223 = arith.constant 0 : i32
    %dma_start3A_224 = tpu.memref_slice %arg5[%dma_start3A_222, %dma_start3A_223] : memref<13x1024xi32, #tpu.memory_space<vmem>> -> memref<1x1024xi32, #tpu.memory_space<vmem>>
    %dma_start3A_225 = tpu.memref_squeeze %dma_start3A_224 : memref<1x1024xi32, #tpu.memory_space<vmem>> -> memref<1024xi32, #tpu.memory_space<vmem>>
    %dma_start3A_226 = arith.constant 0 : i32
    %dma_start3A_227 = arith.constant 0 : i32
    %dma_start3A_228 = tpu.memref_slice %arg3[%dma_start3A_226, %dma_start3A_227] : memref<1015808x32xf32, #tpu.memory_space<hbm>> -> memref<1015808x32xf32, #tpu.memory_space<hbm>>
    tpu.enqueue_indirect_dma source(%dma_start3A_228 : memref<1015808x32xf32, #tpu.memory_space<hbm>>) target(%arg7 : memref<1024x32xf32, #tpu.memory_space<vmem>>) offsets(%dma_start3A_225 : memref<1024xi32, #tpu.memory_space<vmem>>) semaphore(%arg10 : memref<!tpu.dma_semaphore, #tpu.memory_space<semaphore_mem>>)
    %dma_wait3A_229 = arith.constant 9 : i32
    %dma_wait3A_230 = arith.constant 0 : i32
    %dma_wait3A_231 = tpu.memref_slice %arg5[%dma_wait3A_229, %dma_wait3A_230] : memref<13x1024xi32, #tpu.memory_space<vmem>> -> memref<1x1024xi32, #tpu.memory_space<vmem>>
    %dma_wait3A_232 = tpu.memref_squeeze %dma_wait3A_231 : memref<1x1024xi32, #tpu.memory_space<vmem>> -> memref<1024xi32, #tpu.memory_space<vmem>>
    %dma_wait3A_233 = arith.constant 0 : i32
    %dma_wait3A_234 = arith.constant 0 : i32
    %dma_wait3A_235 = tpu.memref_slice %arg3[%dma_wait3A_233, %dma_wait3A_234] : memref<1015808x32xf32, #tpu.memory_space<hbm>> -> memref<1015808x32xf32, #tpu.memory_space<hbm>>
    tpu.wait_indirect_dma semaphore(%arg9 : memref<!tpu.dma_semaphore, #tpu.memory_space<semaphore_mem>>) src(%dma_wait3A_235 : memref<1015808x32xf32, #tpu.memory_space<hbm>>) dst(%arg6 : memref<1024x32xf32, #tpu.memory_space<vmem>>)
    %add3A_236 = arith.constant 9216 : i32
    %add3A_237 = arith.addi %mul3A_2, %add3A_236 : i32
    %dma_start3A_238 = arith.constant 0 : i32
    %dma_start3A_239 = tpu.memref_slice %arg4[%add3A_237, %dma_start3A_238] : memref<425984x32xf32, #tpu.memory_space<hbm>> -> memref<1024x32xf32, #tpu.memory_space<hbm>>
    %dma_start3A_240 = arith.constant 0 : i32
    %dma_start3A_241 = tpu.memref_slice %arg4[%add3A_237, %dma_start3A_240] : memref<425984x32xf32, #tpu.memory_space<hbm>> -> memref<1024x32xf32, #tpu.memory_space<hbm>>
    tpu.enqueue_dma source(%arg6 : memref<1024x32xf32, #tpu.memory_space<vmem>>) target(%dma_start3A_241 : memref<1024x32xf32, #tpu.memory_space<hbm>>) target_semaphore(%arg12 : memref<!tpu.dma_semaphore, #tpu.memory_space<semaphore_mem>>)
    %dma_wait3A_242 = arith.constant 0 : i32
    %dma_wait3A_243 = tpu.memref_slice %arg4[%add3A_213, %dma_wait3A_242] : memref<425984x32xf32, #tpu.memory_space<hbm>> -> memref<1024x32xf32, #tpu.memory_space<hbm>>
    %dma_wait3A_244 = arith.constant 0 : i32
    %dma_wait3A_245 = tpu.memref_slice %arg4[%add3A_213, %dma_wait3A_244] : memref<425984x32xf32, #tpu.memory_space<hbm>> -> memref<1024x32xf32, #tpu.memory_space<hbm>>
    tpu.wait_dma2 semaphore(%arg14 : memref<!tpu.dma_semaphore, #tpu.memory_space<semaphore_mem>>) src(%arg8 : memref<1024x32xf32, #tpu.memory_space<vmem>>) dst(%dma_wait3A_245 : memref<1024x32xf32, #tpu.memory_space<hbm>>)
    %dma_start3A_246 = arith.constant 11 : i32
    %dma_start3A_247 = arith.constant 0 : i32
    %dma_start3A_248 = tpu.memref_slice %arg5[%dma_start3A_246, %dma_start3A_247] : memref<13x1024xi32, #tpu.memory_space<vmem>> -> memref<1x1024xi32, #tpu.memory_space<vmem>>
    %dma_start3A_249 = tpu.memref_squeeze %dma_start3A_248 : memref<1x1024xi32, #tpu.memory_space<vmem>> -> memref<1024xi32, #tpu.memory_space<vmem>>
    %dma_start3A_250 = arith.constant 0 : i32
    %dma_start3A_251 = arith.constant 0 : i32
    %dma_start3A_252 = tpu.memref_slice %arg3[%dma_start3A_250, %dma_start3A_251] : memref<1015808x32xf32, #tpu.memory_space<hbm>> -> memref<1015808x32xf32, #tpu.memory_space<hbm>>
    tpu.enqueue_indirect_dma source(%dma_start3A_252 : memref<1015808x32xf32, #tpu.memory_space<hbm>>) target(%arg8 : memref<1024x32xf32, #tpu.memory_space<vmem>>) offsets(%dma_start3A_249 : memref<1024xi32, #tpu.memory_space<vmem>>) semaphore(%arg11 : memref<!tpu.dma_semaphore, #tpu.memory_space<semaphore_mem>>)
    %dma_wait3A_253 = arith.constant 10 : i32
    %dma_wait3A_254 = arith.constant 0 : i32
    %dma_wait3A_255 = tpu.memref_slice %arg5[%dma_wait3A_253, %dma_wait3A_254] : memref<13x1024xi32, #tpu.memory_space<vmem>> -> memref<1x1024xi32, #tpu.memory_space<vmem>>
    %dma_wait3A_256 = tpu.memref_squeeze %dma_wait3A_255 : memref<1x1024xi32, #tpu.memory_space<vmem>> -> memref<1024xi32, #tpu.memory_space<vmem>>
    %dma_wait3A_257 = arith.constant 0 : i32
    %dma_wait3A_258 = arith.constant 0 : i32
    %dma_wait3A_259 = tpu.memref_slice %arg3[%dma_wait3A_257, %dma_wait3A_258] : memref<1015808x32xf32, #tpu.memory_space<hbm>> -> memref<1015808x32xf32, #tpu.memory_space<hbm>>
    tpu.wait_indirect_dma semaphore(%arg10 : memref<!tpu.dma_semaphore, #tpu.memory_space<semaphore_mem>>) src(%dma_wait3A_259 : memref<1015808x32xf32, #tpu.memory_space<hbm>>) dst(%arg7 : memref<1024x32xf32, #tpu.memory_space<vmem>>)
    %add3A_260 = arith.constant 10240 : i32
    %add3A_261 = arith.addi %mul3A_2, %add3A_260 : i32
    %dma_start3A_262 = arith.constant 0 : i32
    %dma_start3A_263 = tpu.memref_slice %arg4[%add3A_261, %dma_start3A_262] : memref<425984x32xf32, #tpu.memory_space<hbm>> -> memref<1024x32xf32, #tpu.memory_space<hbm>>
    %dma_start3A_264 = arith.constant 0 : i32
    %dma_start3A_265 = tpu.memref_slice %arg4[%add3A_261, %dma_start3A_264] : memref<425984x32xf32, #tpu.memory_space<hbm>> -> memref<1024x32xf32, #tpu.memory_space<hbm>>
    tpu.enqueue_dma source(%arg7 : memref<1024x32xf32, #tpu.memory_space<vmem>>) target(%dma_start3A_265 : memref<1024x32xf32, #tpu.memory_space<hbm>>) target_semaphore(%arg13 : memref<!tpu.dma_semaphore, #tpu.memory_space<semaphore_mem>>)
    %dma_wait3A_266 = arith.constant 0 : i32
    %dma_wait3A_267 = tpu.memref_slice %arg4[%add3A_237, %dma_wait3A_266] : memref<425984x32xf32, #tpu.memory_space<hbm>> -> memref<1024x32xf32, #tpu.memory_space<hbm>>
    %dma_wait3A_268 = arith.constant 0 : i32
    %dma_wait3A_269 = tpu.memref_slice %arg4[%add3A_237, %dma_wait3A_268] : memref<425984x32xf32, #tpu.memory_space<hbm>> -> memref<1024x32xf32, #tpu.memory_space<hbm>>
    tpu.wait_dma2 semaphore(%arg12 : memref<!tpu.dma_semaphore, #tpu.memory_space<semaphore_mem>>) src(%arg6 : memref<1024x32xf32, #tpu.memory_space<vmem>>) dst(%dma_wait3A_269 : memref<1024x32xf32, #tpu.memory_space<hbm>>)
    %dma_start3A_270 = arith.constant 12 : i32
    %dma_start3A_271 = arith.constant 0 : i32
    %dma_start3A_272 = tpu.memref_slice %arg5[%dma_start3A_270, %dma_start3A_271] : memref<13x1024xi32, #tpu.memory_space<vmem>> -> memref<1x1024xi32, #tpu.memory_space<vmem>>
    %dma_start3A_273 = tpu.memref_squeeze %dma_start3A_272 : memref<1x1024xi32, #tpu.memory_space<vmem>> -> memref<1024xi32, #tpu.memory_space<vmem>>
    %dma_start3A_274 = arith.constant 0 : i32
    %dma_start3A_275 = arith.constant 0 : i32
    %dma_start3A_276 = tpu.memref_slice %arg3[%dma_start3A_274, %dma_start3A_275] : memref<1015808x32xf32, #tpu.memory_space<hbm>> -> memref<1015808x32xf32, #tpu.memory_space<hbm>>
    tpu.enqueue_indirect_dma source(%dma_start3A_276 : memref<1015808x32xf32, #tpu.memory_space<hbm>>) target(%arg6 : memref<1024x32xf32, #tpu.memory_space<vmem>>) offsets(%dma_start3A_273 : memref<1024xi32, #tpu.memory_space<vmem>>) semaphore(%arg9 : memref<!tpu.dma_semaphore, #tpu.memory_space<semaphore_mem>>)
    %dma_wait3A_277 = arith.constant 11 : i32
    %dma_wait3A_278 = arith.constant 0 : i32
    %dma_wait3A_279 = tpu.memref_slice %arg5[%dma_wait3A_277, %dma_wait3A_278] : memref<13x1024xi32, #tpu.memory_space<vmem>> -> memref<1x1024xi32, #tpu.memory_space<vmem>>
    %dma_wait3A_280 = tpu.memref_squeeze %dma_wait3A_279 : memref<1x1024xi32, #tpu.memory_space<vmem>> -> memref<1024xi32, #tpu.memory_space<vmem>>
    %dma_wait3A_281 = arith.constant 0 : i32
    %dma_wait3A_282 = arith.constant 0 : i32
    %dma_wait3A_283 = tpu.memref_slice %arg3[%dma_wait3A_281, %dma_wait3A_282] : memref<1015808x32xf32, #tpu.memory_space<hbm>> -> memref<1015808x32xf32, #tpu.memory_space<hbm>>
    tpu.wait_indirect_dma semaphore(%arg11 : memref<!tpu.dma_semaphore, #tpu.memory_space<semaphore_mem>>) src(%dma_wait3A_283 : memref<1015808x32xf32, #tpu.memory_space<hbm>>) dst(%arg8 : memref<1024x32xf32, #tpu.memory_space<vmem>>)
    %add3A_284 = arith.constant 11264 : i32
    %add3A_285 = arith.addi %mul3A_2, %add3A_284 : i32
    %dma_start3A_286 = arith.constant 0 : i32
    %dma_start3A_287 = tpu.memref_slice %arg4[%add3A_285, %dma_start3A_286] : memref<425984x32xf32, #tpu.memory_space<hbm>> -> memref<1024x32xf32, #tpu.memory_space<hbm>>
    %dma_start3A_288 = arith.constant 0 : i32
    %dma_start3A_289 = tpu.memref_slice %arg4[%add3A_285, %dma_start3A_288] : memref<425984x32xf32, #tpu.memory_space<hbm>> -> memref<1024x32xf32, #tpu.memory_space<hbm>>
    tpu.enqueue_dma source(%arg8 : memref<1024x32xf32, #tpu.memory_space<vmem>>) target(%dma_start3A_289 : memref<1024x32xf32, #tpu.memory_space<hbm>>) target_semaphore(%arg14 : memref<!tpu.dma_semaphore, #tpu.memory_space<semaphore_mem>>)
    %dma_wait3A_290 = arith.constant 12 : i32
    %dma_wait3A_291 = arith.constant 0 : i32
    %dma_wait3A_292 = tpu.memref_slice %arg5[%dma_wait3A_290, %dma_wait3A_291] : memref<13x1024xi32, #tpu.memory_space<vmem>> -> memref<1x1024xi32, #tpu.memory_space<vmem>>
    %dma_wait3A_293 = tpu.memref_squeeze %dma_wait3A_292 : memref<1x1024xi32, #tpu.memory_space<vmem>> -> memref<1024xi32, #tpu.memory_space<vmem>>
    %dma_wait3A_294 = arith.constant 0 : i32
    %dma_wait3A_295 = arith.constant 0 : i32
    %dma_wait3A_296 = tpu.memref_slice %arg3[%dma_wait3A_294, %dma_wait3A_295] : memref<1015808x32xf32, #tpu.memory_space<hbm>> -> memref<1015808x32xf32, #tpu.memory_space<hbm>>
    tpu.wait_indirect_dma semaphore(%arg9 : memref<!tpu.dma_semaphore, #tpu.memory_space<semaphore_mem>>) src(%dma_wait3A_296 : memref<1015808x32xf32, #tpu.memory_space<hbm>>) dst(%arg6 : memref<1024x32xf32, #tpu.memory_space<vmem>>)
    %add3A_297 = arith.constant 12288 : i32
    %add3A_298 = arith.addi %mul3A_2, %add3A_297 : i32
    %dma_start3A_299 = arith.constant 0 : i32
    %dma_start3A_300 = tpu.memref_slice %arg4[%add3A_298, %dma_start3A_299] : memref<425984x32xf32, #tpu.memory_space<hbm>> -> memref<1024x32xf32, #tpu.memory_space<hbm>>
    %dma_start3A_301 = arith.constant 0 : i32
    %dma_start3A_302 = tpu.memref_slice %arg4[%add3A_298, %dma_start3A_301] : memref<425984x32xf32, #tpu.memory_space<hbm>> -> memref<1024x32xf32, #tpu.memory_space<hbm>>
    tpu.enqueue_dma source(%arg6 : memref<1024x32xf32, #tpu.memory_space<vmem>>) target(%dma_start3A_302 : memref<1024x32xf32, #tpu.memory_space<hbm>>) target_semaphore(%arg12 : memref<!tpu.dma_semaphore, #tpu.memory_space<semaphore_mem>>)
    %dma_wait3A_303 = arith.constant 0 : i32
    %dma_wait3A_304 = tpu.memref_slice %arg4[%add3A_261, %dma_wait3A_303] : memref<425984x32xf32, #tpu.memory_space<hbm>> -> memref<1024x32xf32, #tpu.memory_space<hbm>>
    %dma_wait3A_305 = arith.constant 0 : i32
    %dma_wait3A_306 = tpu.memref_slice %arg4[%add3A_261, %dma_wait3A_305] : memref<425984x32xf32, #tpu.memory_space<hbm>> -> memref<1024x32xf32, #tpu.memory_space<hbm>>
    tpu.wait_dma2 semaphore(%arg13 : memref<!tpu.dma_semaphore, #tpu.memory_space<semaphore_mem>>) src(%arg7 : memref<1024x32xf32, #tpu.memory_space<vmem>>) dst(%dma_wait3A_306 : memref<1024x32xf32, #tpu.memory_space<hbm>>)
    %dma_wait3A_307 = arith.constant 0 : i32
    %dma_wait3A_308 = tpu.memref_slice %arg4[%add3A_285, %dma_wait3A_307] : memref<425984x32xf32, #tpu.memory_space<hbm>> -> memref<1024x32xf32, #tpu.memory_space<hbm>>
    %dma_wait3A_309 = arith.constant 0 : i32
    %dma_wait3A_310 = tpu.memref_slice %arg4[%add3A_285, %dma_wait3A_309] : memref<425984x32xf32, #tpu.memory_space<hbm>> -> memref<1024x32xf32, #tpu.memory_space<hbm>>
    tpu.wait_dma2 semaphore(%arg14 : memref<!tpu.dma_semaphore, #tpu.memory_space<semaphore_mem>>) src(%arg8 : memref<1024x32xf32, #tpu.memory_space<vmem>>) dst(%dma_wait3A_310 : memref<1024x32xf32, #tpu.memory_space<hbm>>)
    %dma_wait3A_311 = arith.constant 0 : i32
    %dma_wait3A_312 = tpu.memref_slice %arg4[%add3A_298, %dma_wait3A_311] : memref<425984x32xf32, #tpu.memory_space<hbm>> -> memref<1024x32xf32, #tpu.memory_space<hbm>>
    %dma_wait3A_313 = arith.constant 0 : i32
    %dma_wait3A_314 = tpu.memref_slice %arg4[%add3A_298, %dma_wait3A_313] : memref<425984x32xf32, #tpu.memory_space<hbm>> -> memref<1024x32xf32, #tpu.memory_space<hbm>>
    tpu.wait_dma2 semaphore(%arg12 : memref<!tpu.dma_semaphore, #tpu.memory_space<semaphore_mem>>) src(%arg6 : memref<1024x32xf32, #tpu.memory_space<vmem>>) dst(%dma_wait3A_314 : memref<1024x32xf32, #tpu.memory_space<hbm>>)
    return
  }
}

module attributes {stable_mosaic.version = 14 : i64} {
  func.func @body(%arg0: i32, %arg1: memref<32x32768xf32, #tpu.memory_space<vmem>>, %arg2: memref<8192x128xf32, #tpu.memory_space<vmem>>) attributes {dimension_semantics = [#tpu.dimension_semantics<arbitrary>], iteration_bounds = array<i64: 31>, scalar_prefetch = 0 : i64, scratch_operands = 0 : i64, tpu.core_type = #tpu.core_type<tc>, window_params = [{transform_indices = @transform_0, window_bounds = array<i64: 32, 32768>}, {transform_indices = @transform_1, window_bounds = array<i64: 8192, 128>}]} {
    %get3A = arith.constant 0 : index
    %get3A_0 = arith.constant 0 : index
    %get3A_1 = vector.load %arg1[%get3A, %get3A_0] : memref<32x32768xf32, #tpu.memory_space<vmem>>, vector<32x32768xf32>
    %slice3A = vector.extract_strided_slice %get3A_1 {offsets = [0, 0], sizes = [32, 8192], strides = [1, 1]} : vector<32x32768xf32> to vector<32x8192xf32>
    %slice3A_2 = vector.extract_strided_slice %get3A_1 {offsets = [0, 8192], sizes = [32, 8192], strides = [1, 1]} : vector<32x32768xf32> to vector<32x8192xf32>
    %slice3A_3 = vector.extract_strided_slice %get3A_1 {offsets = [0, 16384], sizes = [32, 8192], strides = [1, 1]} : vector<32x32768xf32> to vector<32x8192xf32>
    %slice3A_4 = vector.extract_strided_slice %get3A_1 {offsets = [0, 24576], sizes = [32, 8192], strides = [1, 1]} : vector<32x32768xf32> to vector<32x8192xf32>
    %concatenate3A = tpu.concatenate %slice3A, %slice3A_2, %slice3A_3, %slice3A_4 in 0 : vector<32x8192xf32>, vector<32x8192xf32>, vector<32x8192xf32>, vector<32x8192xf32> -> vector<128x8192xf32>
    %iota3A = tpu.iota {dimensions = array<i32: 0>} : vector<128x128xi32>
    %iota3A_5 = tpu.iota {dimensions = array<i32: 1>} : vector<128x128xi32>
    %add3A = arith.constant 0 : i32
    %add3A_6 = vector.broadcast %add3A : i32 to vector<128x128xi32>
    %add3A_7 = arith.addi %iota3A, %add3A_6 : vector<128x128xi32>
    %eq3A = arith.cmpi eq, %add3A_7, %iota3A_5 : vector<128x128xi32>
    %convert_element_type3A = arith.extui %eq3A : vector<128x128xi1> to vector<128x128xi32>
    %convert_element_type3A_8 = arith.sitofp %convert_element_type3A : vector<128x128xi32> to vector<128x128xf32>
    %dot_general3A = arith.constant dense<0.000000e+00> : vector<8192x128xf32>
    %dot_general3A_9 = tpu.matmul %concatenate3A, %convert_element_type3A_8, %dot_general3A {dimension_numbers = #tpu.dot_dimension_numbers<[0], [0], [1], [1], [0, 1, 1, 1], [], []>, transpose_lhs_hint = false} : vector<128x8192xf32>, vector<128x128xf32>, vector<8192x128xf32> -> vector<8192x128xf32>
    %swap3A = arith.constant 0 : index
    %swap3A_10 = arith.constant 0 : index
    %swap3A_11 = vector.load %arg2[%swap3A, %swap3A_10] : memref<8192x128xf32, #tpu.memory_space<vmem>>, vector<8192x128xf32>
    tpu.vector_store %arg2[%swap3A, %swap3A_10], %dot_general3A_9 {strides = array<i32>} : memref<8192x128xf32, #tpu.memory_space<vmem>>, vector<8192x128xf32>,
    return
  }
  func.func @transform_0(%arg0: i32) -> (i32, i32) {
    %c0_i32 = arith.constant 0 : i32
    %c0_i32_0 = arith.constant 0 : i32
    return %c0_i32, %arg0 : i32, i32
  }
  func.func @transform_1(%arg0: i32) -> (i32, i32) {
    %c0_i32 = arith.constant 0 : i32
    %c0_i32_0 = arith.constant 0 : i32
    return %arg0, %c0_i32 : i32, i32
  }
}

module attributes {stable_mosaic.version = 14 : i64} {
  func.func @body(%arg0: i32, %arg1: i32, %arg2: memref<1x4096x128xf32, #tpu.memory_space<vmem>>, %arg3: memref<1x32x16384xf32, #tpu.memory_space<vmem>>) attributes {dimension_semantics = [#tpu.dimension_semantics<arbitrary>, #tpu.dimension_semantics<arbitrary>], iteration_bounds = array<i64: 26, 1>, scalar_prefetch = 0 : i64, scratch_operands = 0 : i64, tpu.core_type = #tpu.core_type<tc>, window_params = [{transform_indices = @transform_0, window_bounds = array<i64: 1, 4096, 128>}, {transform_indices = @transform_1, window_bounds = array<i64: 1, 32, 16384>}]} {
    %get3A = arith.constant 0 : index
    %get3A_0 = arith.constant 0 : index
    %get3A_1 = arith.constant 0 : index
    %get3A_2 = vector.load %arg2[%get3A, %get3A_0, %get3A_1] : memref<1x4096x128xf32, #tpu.memory_space<vmem>>, vector<1x4096x128xf32>
    %get3A_3 = vector.shape_cast %get3A_2 : vector<1x4096x128xf32> to vector<4096x128xf32>
    %iota3A = tpu.iota {dimensions = array<i32: 0>} : vector<128x128xi32>
    %iota3A_4 = tpu.iota {dimensions = array<i32: 1>} : vector<128x128xi32>
    %add3A = arith.constant 0 : i32
    %add3A_5 = vector.broadcast %add3A : i32 to vector<128x128xi32>
    %add3A_6 = arith.addi %iota3A, %add3A_5 : vector<128x128xi32>
    %eq3A = arith.cmpi eq, %add3A_6, %iota3A_4 : vector<128x128xi32>
    %convert_element_type3A = arith.extui %eq3A : vector<128x128xi1> to vector<128x128xi32>
    %convert_element_type3A_7 = arith.sitofp %convert_element_type3A : vector<128x128xi32> to vector<128x128xf32>
    %slice3A = vector.extract_strided_slice %get3A_3 {offsets = [0, 0], sizes = [128, 128], strides = [1, 1]} : vector<4096x128xf32> to vector<128x128xf32>
    %dot_general3A = arith.constant dense<0.000000e+00> : vector<128x128xf32>
    %dot_general3A_8 = tpu.matmul %slice3A, %convert_element_type3A_7, %dot_general3A {dimension_numbers = #tpu.dot_dimension_numbers<[0], [0], [1], [1], [0, 1, 1, 1], [], []>, transpose_lhs_hint = false} : vector<128x128xf32>, vector<128x128xf32>, vector<128x128xf32> -> vector<128x128xf32>
    %slice3A_9 = vector.extract_strided_slice %dot_general3A_8 {offsets = [0, 0], sizes = [32, 128], strides = [1, 1]} : vector<128x128xf32> to vector<32x128xf32>
    %slice3A_10 = vector.extract_strided_slice %dot_general3A_8 {offsets = [32, 0], sizes = [32, 128], strides = [1, 1]} : vector<128x128xf32> to vector<32x128xf32>
    %slice3A_11 = vector.extract_strided_slice %dot_general3A_8 {offsets = [64, 0], sizes = [32, 128], strides = [1, 1]} : vector<128x128xf32> to vector<32x128xf32>
    %slice3A_12 = vector.extract_strided_slice %dot_general3A_8 {offsets = [96, 0], sizes = [32, 128], strides = [1, 1]} : vector<128x128xf32> to vector<32x128xf32>
    %slice3A_13 = vector.extract_strided_slice %get3A_3 {offsets = [128, 0], sizes = [128, 128], strides = [1, 1]} : vector<4096x128xf32> to vector<128x128xf32>
    %dot_general3A_14 = arith.constant dense<0.000000e+00> : vector<128x128xf32>
    %dot_general3A_15 = tpu.matmul %slice3A_13, %convert_element_type3A_7, %dot_general3A_14 {dimension_numbers = #tpu.dot_dimension_numbers<[0], [0], [1], [1], [0, 1, 1, 1], [], []>, transpose_lhs_hint = false} : vector<128x128xf32>, vector<128x128xf32>, vector<128x128xf32> -> vector<128x128xf32>
    %slice3A_16 = vector.extract_strided_slice %dot_general3A_15 {offsets = [0, 0], sizes = [32, 128], strides = [1, 1]} : vector<128x128xf32> to vector<32x128xf32>
    %slice3A_17 = vector.extract_strided_slice %dot_general3A_15 {offsets = [32, 0], sizes = [32, 128], strides = [1, 1]} : vector<128x128xf32> to vector<32x128xf32>
    %slice3A_18 = vector.extract_strided_slice %dot_general3A_15 {offsets = [64, 0], sizes = [32, 128], strides = [1, 1]} : vector<128x128xf32> to vector<32x128xf32>
    %slice3A_19 = vector.extract_strided_slice %dot_general3A_15 {offsets = [96, 0], sizes = [32, 128], strides = [1, 1]} : vector<128x128xf32> to vector<32x128xf32>
    %slice3A_20 = vector.extract_strided_slice %get3A_3 {offsets = [256, 0], sizes = [128, 128], strides = [1, 1]} : vector<4096x128xf32> to vector<128x128xf32>
    %dot_general3A_21 = arith.constant dense<0.000000e+00> : vector<128x128xf32>
    %dot_general3A_22 = tpu.matmul %slice3A_20, %convert_element_type3A_7, %dot_general3A_21 {dimension_numbers = #tpu.dot_dimension_numbers<[0], [0], [1], [1], [0, 1, 1, 1], [], []>, transpose_lhs_hint = false} : vector<128x128xf32>, vector<128x128xf32>, vector<128x128xf32> -> vector<128x128xf32>
    %slice3A_23 = vector.extract_strided_slice %dot_general3A_22 {offsets = [0, 0], sizes = [32, 128], strides = [1, 1]} : vector<128x128xf32> to vector<32x128xf32>
    %slice3A_24 = vector.extract_strided_slice %dot_general3A_22 {offsets = [32, 0], sizes = [32, 128], strides = [1, 1]} : vector<128x128xf32> to vector<32x128xf32>
    %slice3A_25 = vector.extract_strided_slice %dot_general3A_22 {offsets = [64, 0], sizes = [32, 128], strides = [1, 1]} : vector<128x128xf32> to vector<32x128xf32>
    %slice3A_26 = vector.extract_strided_slice %dot_general3A_22 {offsets = [96, 0], sizes = [32, 128], strides = [1, 1]} : vector<128x128xf32> to vector<32x128xf32>
    %slice3A_27 = vector.extract_strided_slice %get3A_3 {offsets = [384, 0], sizes = [128, 128], strides = [1, 1]} : vector<4096x128xf32> to vector<128x128xf32>
    %dot_general3A_28 = arith.constant dense<0.000000e+00> : vector<128x128xf32>
    %dot_general3A_29 = tpu.matmul %slice3A_27, %convert_element_type3A_7, %dot_general3A_28 {dimension_numbers = #tpu.dot_dimension_numbers<[0], [0], [1], [1], [0, 1, 1, 1], [], []>, transpose_lhs_hint = false} : vector<128x128xf32>, vector<128x128xf32>, vector<128x128xf32> -> vector<128x128xf32>
    %slice3A_30 = vector.extract_strided_slice %dot_general3A_29 {offsets = [0, 0], sizes = [32, 128], strides = [1, 1]} : vector<128x128xf32> to vector<32x128xf32>
    %slice3A_31 = vector.extract_strided_slice %dot_general3A_29 {offsets = [32, 0], sizes = [32, 128], strides = [1, 1]} : vector<128x128xf32> to vector<32x128xf32>
    %slice3A_32 = vector.extract_strided_slice %dot_general3A_29 {offsets = [64, 0], sizes = [32, 128], strides = [1, 1]} : vector<128x128xf32> to vector<32x128xf32>
    %slice3A_33 = vector.extract_strided_slice %dot_general3A_29 {offsets = [96, 0], sizes = [32, 128], strides = [1, 1]} : vector<128x128xf32> to vector<32x128xf32>
    %slice3A_34 = vector.extract_strided_slice %get3A_3 {offsets = [512, 0], sizes = [128, 128], strides = [1, 1]} : vector<4096x128xf32> to vector<128x128xf32>
    %dot_general3A_35 = arith.constant dense<0.000000e+00> : vector<128x128xf32>
    %dot_general3A_36 = tpu.matmul %slice3A_34, %convert_element_type3A_7, %dot_general3A_35 {dimension_numbers = #tpu.dot_dimension_numbers<[0], [0], [1], [1], [0, 1, 1, 1], [], []>, transpose_lhs_hint = false} : vector<128x128xf32>, vector<128x128xf32>, vector<128x128xf32> -> vector<128x128xf32>
    %slice3A_37 = vector.extract_strided_slice %dot_general3A_36 {offsets = [0, 0], sizes = [32, 128], strides = [1, 1]} : vector<128x128xf32> to vector<32x128xf32>
    %slice3A_38 = vector.extract_strided_slice %dot_general3A_36 {offsets = [32, 0], sizes = [32, 128], strides = [1, 1]} : vector<128x128xf32> to vector<32x128xf32>
    %slice3A_39 = vector.extract_strided_slice %dot_general3A_36 {offsets = [64, 0], sizes = [32, 128], strides = [1, 1]} : vector<128x128xf32> to vector<32x128xf32>
    %slice3A_40 = vector.extract_strided_slice %dot_general3A_36 {offsets = [96, 0], sizes = [32, 128], strides = [1, 1]} : vector<128x128xf32> to vector<32x128xf32>
    %slice3A_41 = vector.extract_strided_slice %get3A_3 {offsets = [640, 0], sizes = [128, 128], strides = [1, 1]} : vector<4096x128xf32> to vector<128x128xf32>
    %dot_general3A_42 = arith.constant dense<0.000000e+00> : vector<128x128xf32>
    %dot_general3A_43 = tpu.matmul %slice3A_41, %convert_element_type3A_7, %dot_general3A_42 {dimension_numbers = #tpu.dot_dimension_numbers<[0], [0], [1], [1], [0, 1, 1, 1], [], []>, transpose_lhs_hint = false} : vector<128x128xf32>, vector<128x128xf32>, vector<128x128xf32> -> vector<128x128xf32>
    %slice3A_44 = vector.extract_strided_slice %dot_general3A_43 {offsets = [0, 0], sizes = [32, 128], strides = [1, 1]} : vector<128x128xf32> to vector<32x128xf32>
    %slice3A_45 = vector.extract_strided_slice %dot_general3A_43 {offsets = [32, 0], sizes = [32, 128], strides = [1, 1]} : vector<128x128xf32> to vector<32x128xf32>
    %slice3A_46 = vector.extract_strided_slice %dot_general3A_43 {offsets = [64, 0], sizes = [32, 128], strides = [1, 1]} : vector<128x128xf32> to vector<32x128xf32>
    %slice3A_47 = vector.extract_strided_slice %dot_general3A_43 {offsets = [96, 0], sizes = [32, 128], strides = [1, 1]} : vector<128x128xf32> to vector<32x128xf32>
    %slice3A_48 = vector.extract_strided_slice %get3A_3 {offsets = [768, 0], sizes = [128, 128], strides = [1, 1]} : vector<4096x128xf32> to vector<128x128xf32>
    %dot_general3A_49 = arith.constant dense<0.000000e+00> : vector<128x128xf32>
    %dot_general3A_50 = tpu.matmul %slice3A_48, %convert_element_type3A_7, %dot_general3A_49 {dimension_numbers = #tpu.dot_dimension_numbers<[0], [0], [1], [1], [0, 1, 1, 1], [], []>, transpose_lhs_hint = false} : vector<128x128xf32>, vector<128x128xf32>, vector<128x128xf32> -> vector<128x128xf32>
    %slice3A_51 = vector.extract_strided_slice %dot_general3A_50 {offsets = [0, 0], sizes = [32, 128], strides = [1, 1]} : vector<128x128xf32> to vector<32x128xf32>
    %slice3A_52 = vector.extract_strided_slice %dot_general3A_50 {offsets = [32, 0], sizes = [32, 128], strides = [1, 1]} : vector<128x128xf32> to vector<32x128xf32>
    %slice3A_53 = vector.extract_strided_slice %dot_general3A_50 {offsets = [64, 0], sizes = [32, 128], strides = [1, 1]} : vector<128x128xf32> to vector<32x128xf32>
    %slice3A_54 = vector.extract_strided_slice %dot_general3A_50 {offsets = [96, 0], sizes = [32, 128], strides = [1, 1]} : vector<128x128xf32> to vector<32x128xf32>
    %slice3A_55 = vector.extract_strided_slice %get3A_3 {offsets = [896, 0], sizes = [128, 128], strides = [1, 1]} : vector<4096x128xf32> to vector<128x128xf32>
    %dot_general3A_56 = arith.constant dense<0.000000e+00> : vector<128x128xf32>
    %dot_general3A_57 = tpu.matmul %slice3A_55, %convert_element_type3A_7, %dot_general3A_56 {dimension_numbers = #tpu.dot_dimension_numbers<[0], [0], [1], [1], [0, 1, 1, 1], [], []>, transpose_lhs_hint = false} : vector<128x128xf32>, vector<128x128xf32>, vector<128x128xf32> -> vector<128x128xf32>
    %slice3A_58 = vector.extract_strided_slice %dot_general3A_57 {offsets = [0, 0], sizes = [32, 128], strides = [1, 1]} : vector<128x128xf32> to vector<32x128xf32>
    %slice3A_59 = vector.extract_strided_slice %dot_general3A_57 {offsets = [32, 0], sizes = [32, 128], strides = [1, 1]} : vector<128x128xf32> to vector<32x128xf32>
    %slice3A_60 = vector.extract_strided_slice %dot_general3A_57 {offsets = [64, 0], sizes = [32, 128], strides = [1, 1]} : vector<128x128xf32> to vector<32x128xf32>
    %slice3A_61 = vector.extract_strided_slice %dot_general3A_57 {offsets = [96, 0], sizes = [32, 128], strides = [1, 1]} : vector<128x128xf32> to vector<32x128xf32>
    %slice3A_62 = vector.extract_strided_slice %get3A_3 {offsets = [1024, 0], sizes = [128, 128], strides = [1, 1]} : vector<4096x128xf32> to vector<128x128xf32>
    %dot_general3A_63 = arith.constant dense<0.000000e+00> : vector<128x128xf32>
    %dot_general3A_64 = tpu.matmul %slice3A_62, %convert_element_type3A_7, %dot_general3A_63 {dimension_numbers = #tpu.dot_dimension_numbers<[0], [0], [1], [1], [0, 1, 1, 1], [], []>, transpose_lhs_hint = false} : vector<128x128xf32>, vector<128x128xf32>, vector<128x128xf32> -> vector<128x128xf32>
    %slice3A_65 = vector.extract_strided_slice %dot_general3A_64 {offsets = [0, 0], sizes = [32, 128], strides = [1, 1]} : vector<128x128xf32> to vector<32x128xf32>
    %slice3A_66 = vector.extract_strided_slice %dot_general3A_64 {offsets = [32, 0], sizes = [32, 128], strides = [1, 1]} : vector<128x128xf32> to vector<32x128xf32>
    %slice3A_67 = vector.extract_strided_slice %dot_general3A_64 {offsets = [64, 0], sizes = [32, 128], strides = [1, 1]} : vector<128x128xf32> to vector<32x128xf32>
    %slice3A_68 = vector.extract_strided_slice %dot_general3A_64 {offsets = [96, 0], sizes = [32, 128], strides = [1, 1]} : vector<128x128xf32> to vector<32x128xf32>
    %slice3A_69 = vector.extract_strided_slice %get3A_3 {offsets = [1152, 0], sizes = [128, 128], strides = [1, 1]} : vector<4096x128xf32> to vector<128x128xf32>
    %dot_general3A_70 = arith.constant dense<0.000000e+00> : vector<128x128xf32>
    %dot_general3A_71 = tpu.matmul %slice3A_69, %convert_element_type3A_7, %dot_general3A_70 {dimension_numbers = #tpu.dot_dimension_numbers<[0], [0], [1], [1], [0, 1, 1, 1], [], []>, transpose_lhs_hint = false} : vector<128x128xf32>, vector<128x128xf32>, vector<128x128xf32> -> vector<128x128xf32>
    %slice3A_72 = vector.extract_strided_slice %dot_general3A_71 {offsets = [0, 0], sizes = [32, 128], strides = [1, 1]} : vector<128x128xf32> to vector<32x128xf32>
    %slice3A_73 = vector.extract_strided_slice %dot_general3A_71 {offsets = [32, 0], sizes = [32, 128], strides = [1, 1]} : vector<128x128xf32> to vector<32x128xf32>
    %slice3A_74 = vector.extract_strided_slice %dot_general3A_71 {offsets = [64, 0], sizes = [32, 128], strides = [1, 1]} : vector<128x128xf32> to vector<32x128xf32>
    %slice3A_75 = vector.extract_strided_slice %dot_general3A_71 {offsets = [96, 0], sizes = [32, 128], strides = [1, 1]} : vector<128x128xf32> to vector<32x128xf32>
    %slice3A_76 = vector.extract_strided_slice %get3A_3 {offsets = [1280, 0], sizes = [128, 128], strides = [1, 1]} : vector<4096x128xf32> to vector<128x128xf32>
    %dot_general3A_77 = arith.constant dense<0.000000e+00> : vector<128x128xf32>
    %dot_general3A_78 = tpu.matmul %slice3A_76, %convert_element_type3A_7, %dot_general3A_77 {dimension_numbers = #tpu.dot_dimension_numbers<[0], [0], [1], [1], [0, 1, 1, 1], [], []>, transpose_lhs_hint = false} : vector<128x128xf32>, vector<128x128xf32>, vector<128x128xf32> -> vector<128x128xf32>
    %slice3A_79 = vector.extract_strided_slice %dot_general3A_78 {offsets = [0, 0], sizes = [32, 128], strides = [1, 1]} : vector<128x128xf32> to vector<32x128xf32>
    %slice3A_80 = vector.extract_strided_slice %dot_general3A_78 {offsets = [32, 0], sizes = [32, 128], strides = [1, 1]} : vector<128x128xf32> to vector<32x128xf32>
    %slice3A_81 = vector.extract_strided_slice %dot_general3A_78 {offsets = [64, 0], sizes = [32, 128], strides = [1, 1]} : vector<128x128xf32> to vector<32x128xf32>
    %slice3A_82 = vector.extract_strided_slice %dot_general3A_78 {offsets = [96, 0], sizes = [32, 128], strides = [1, 1]} : vector<128x128xf32> to vector<32x128xf32>
    %slice3A_83 = vector.extract_strided_slice %get3A_3 {offsets = [1408, 0], sizes = [128, 128], strides = [1, 1]} : vector<4096x128xf32> to vector<128x128xf32>
    %dot_general3A_84 = arith.constant dense<0.000000e+00> : vector<128x128xf32>
    %dot_general3A_85 = tpu.matmul %slice3A_83, %convert_element_type3A_7, %dot_general3A_84 {dimension_numbers = #tpu.dot_dimension_numbers<[0], [0], [1], [1], [0, 1, 1, 1], [], []>, transpose_lhs_hint = false} : vector<128x128xf32>, vector<128x128xf32>, vector<128x128xf32> -> vector<128x128xf32>
    %slice3A_86 = vector.extract_strided_slice %dot_general3A_85 {offsets = [0, 0], sizes = [32, 128], strides = [1, 1]} : vector<128x128xf32> to vector<32x128xf32>
    %slice3A_87 = vector.extract_strided_slice %dot_general3A_85 {offsets = [32, 0], sizes = [32, 128], strides = [1, 1]} : vector<128x128xf32> to vector<32x128xf32>
    %slice3A_88 = vector.extract_strided_slice %dot_general3A_85 {offsets = [64, 0], sizes = [32, 128], strides = [1, 1]} : vector<128x128xf32> to vector<32x128xf32>
    %slice3A_89 = vector.extract_strided_slice %dot_general3A_85 {offsets = [96, 0], sizes = [32, 128], strides = [1, 1]} : vector<128x128xf32> to vector<32x128xf32>
    %slice3A_90 = vector.extract_strided_slice %get3A_3 {offsets = [1536, 0], sizes = [128, 128], strides = [1, 1]} : vector<4096x128xf32> to vector<128x128xf32>
    %dot_general3A_91 = arith.constant dense<0.000000e+00> : vector<128x128xf32>
    %dot_general3A_92 = tpu.matmul %slice3A_90, %convert_element_type3A_7, %dot_general3A_91 {dimension_numbers = #tpu.dot_dimension_numbers<[0], [0], [1], [1], [0, 1, 1, 1], [], []>, transpose_lhs_hint = false} : vector<128x128xf32>, vector<128x128xf32>, vector<128x128xf32> -> vector<128x128xf32>
    %slice3A_93 = vector.extract_strided_slice %dot_general3A_92 {offsets = [0, 0], sizes = [32, 128], strides = [1, 1]} : vector<128x128xf32> to vector<32x128xf32>
    %slice3A_94 = vector.extract_strided_slice %dot_general3A_92 {offsets = [32, 0], sizes = [32, 128], strides = [1, 1]} : vector<128x128xf32> to vector<32x128xf32>
    %slice3A_95 = vector.extract_strided_slice %dot_general3A_92 {offsets = [64, 0], sizes = [32, 128], strides = [1, 1]} : vector<128x128xf32> to vector<32x128xf32>
    %slice3A_96 = vector.extract_strided_slice %dot_general3A_92 {offsets = [96, 0], sizes = [32, 128], strides = [1, 1]} : vector<128x128xf32> to vector<32x128xf32>
    %slice3A_97 = vector.extract_strided_slice %get3A_3 {offsets = [1664, 0], sizes = [128, 128], strides = [1, 1]} : vector<4096x128xf32> to vector<128x128xf32>
    %dot_general3A_98 = arith.constant dense<0.000000e+00> : vector<128x128xf32>
    %dot_general3A_99 = tpu.matmul %slice3A_97, %convert_element_type3A_7, %dot_general3A_98 {dimension_numbers = #tpu.dot_dimension_numbers<[0], [0], [1], [1], [0, 1, 1, 1], [], []>, transpose_lhs_hint = false} : vector<128x128xf32>, vector<128x128xf32>, vector<128x128xf32> -> vector<128x128xf32>
    %slice3A_100 = vector.extract_strided_slice %dot_general3A_99 {offsets = [0, 0], sizes = [32, 128], strides = [1, 1]} : vector<128x128xf32> to vector<32x128xf32>
    %slice3A_101 = vector.extract_strided_slice %dot_general3A_99 {offsets = [32, 0], sizes = [32, 128], strides = [1, 1]} : vector<128x128xf32> to vector<32x128xf32>
    %slice3A_102 = vector.extract_strided_slice %dot_general3A_99 {offsets = [64, 0], sizes = [32, 128], strides = [1, 1]} : vector<128x128xf32> to vector<32x128xf32>
    %slice3A_103 = vector.extract_strided_slice %dot_general3A_99 {offsets = [96, 0], sizes = [32, 128], strides = [1, 1]} : vector<128x128xf32> to vector<32x128xf32>
    %slice3A_104 = vector.extract_strided_slice %get3A_3 {offsets = [1792, 0], sizes = [128, 128], strides = [1, 1]} : vector<4096x128xf32> to vector<128x128xf32>
    %dot_general3A_105 = arith.constant dense<0.000000e+00> : vector<128x128xf32>
    %dot_general3A_106 = tpu.matmul %slice3A_104, %convert_element_type3A_7, %dot_general3A_105 {dimension_numbers = #tpu.dot_dimension_numbers<[0], [0], [1], [1], [0, 1, 1, 1], [], []>, transpose_lhs_hint = false} : vector<128x128xf32>, vector<128x128xf32>, vector<128x128xf32> -> vector<128x128xf32>
    %slice3A_107 = vector.extract_strided_slice %dot_general3A_106 {offsets = [0, 0], sizes = [32, 128], strides = [1, 1]} : vector<128x128xf32> to vector<32x128xf32>
    %slice3A_108 = vector.extract_strided_slice %dot_general3A_106 {offsets = [32, 0], sizes = [32, 128], strides = [1, 1]} : vector<128x128xf32> to vector<32x128xf32>
    %slice3A_109 = vector.extract_strided_slice %dot_general3A_106 {offsets = [64, 0], sizes = [32, 128], strides = [1, 1]} : vector<128x128xf32> to vector<32x128xf32>
    %slice3A_110 = vector.extract_strided_slice %dot_general3A_106 {offsets = [96, 0], sizes = [32, 128], strides = [1, 1]} : vector<128x128xf32> to vector<32x128xf32>
    %slice3A_111 = vector.extract_strided_slice %get3A_3 {offsets = [1920, 0], sizes = [128, 128], strides = [1, 1]} : vector<4096x128xf32> to vector<128x128xf32>
    %dot_general3A_112 = arith.constant dense<0.000000e+00> : vector<128x128xf32>
    %dot_general3A_113 = tpu.matmul %slice3A_111, %convert_element_type3A_7, %dot_general3A_112 {dimension_numbers = #tpu.dot_dimension_numbers<[0], [0], [1], [1], [0, 1, 1, 1], [], []>, transpose_lhs_hint = false} : vector<128x128xf32>, vector<128x128xf32>, vector<128x128xf32> -> vector<128x128xf32>
    %slice3A_114 = vector.extract_strided_slice %dot_general3A_113 {offsets = [0, 0], sizes = [32, 128], strides = [1, 1]} : vector<128x128xf32> to vector<32x128xf32>
    %slice3A_115 = vector.extract_strided_slice %dot_general3A_113 {offsets = [32, 0], sizes = [32, 128], strides = [1, 1]} : vector<128x128xf32> to vector<32x128xf32>
    %slice3A_116 = vector.extract_strided_slice %dot_general3A_113 {offsets = [64, 0], sizes = [32, 128], strides = [1, 1]} : vector<128x128xf32> to vector<32x128xf32>
    %slice3A_117 = vector.extract_strided_slice %dot_general3A_113 {offsets = [96, 0], sizes = [32, 128], strides = [1, 1]} : vector<128x128xf32> to vector<32x128xf32>
    %slice3A_118 = vector.extract_strided_slice %get3A_3 {offsets = [2048, 0], sizes = [128, 128], strides = [1, 1]} : vector<4096x128xf32> to vector<128x128xf32>
    %dot_general3A_119 = arith.constant dense<0.000000e+00> : vector<128x128xf32>
    %dot_general3A_120 = tpu.matmul %slice3A_118, %convert_element_type3A_7, %dot_general3A_119 {dimension_numbers = #tpu.dot_dimension_numbers<[0], [0], [1], [1], [0, 1, 1, 1], [], []>, transpose_lhs_hint = false} : vector<128x128xf32>, vector<128x128xf32>, vector<128x128xf32> -> vector<128x128xf32>
    %slice3A_121 = vector.extract_strided_slice %dot_general3A_120 {offsets = [0, 0], sizes = [32, 128], strides = [1, 1]} : vector<128x128xf32> to vector<32x128xf32>
    %slice3A_122 = vector.extract_strided_slice %dot_general3A_120 {offsets = [32, 0], sizes = [32, 128], strides = [1, 1]} : vector<128x128xf32> to vector<32x128xf32>
    %slice3A_123 = vector.extract_strided_slice %dot_general3A_120 {offsets = [64, 0], sizes = [32, 128], strides = [1, 1]} : vector<128x128xf32> to vector<32x128xf32>
    %slice3A_124 = vector.extract_strided_slice %dot_general3A_120 {offsets = [96, 0], sizes = [32, 128], strides = [1, 1]} : vector<128x128xf32> to vector<32x128xf32>
    %slice3A_125 = vector.extract_strided_slice %get3A_3 {offsets = [2176, 0], sizes = [128, 128], strides = [1, 1]} : vector<4096x128xf32> to vector<128x128xf32>
    %dot_general3A_126 = arith.constant dense<0.000000e+00> : vector<128x128xf32>
    %dot_general3A_127 = tpu.matmul %slice3A_125, %convert_element_type3A_7, %dot_general3A_126 {dimension_numbers = #tpu.dot_dimension_numbers<[0], [0], [1], [1], [0, 1, 1, 1], [], []>, transpose_lhs_hint = false} : vector<128x128xf32>, vector<128x128xf32>, vector<128x128xf32> -> vector<128x128xf32>
    %slice3A_128 = vector.extract_strided_slice %dot_general3A_127 {offsets = [0, 0], sizes = [32, 128], strides = [1, 1]} : vector<128x128xf32> to vector<32x128xf32>
    %slice3A_129 = vector.extract_strided_slice %dot_general3A_127 {offsets = [32, 0], sizes = [32, 128], strides = [1, 1]} : vector<128x128xf32> to vector<32x128xf32>
    %slice3A_130 = vector.extract_strided_slice %dot_general3A_127 {offsets = [64, 0], sizes = [32, 128], strides = [1, 1]} : vector<128x128xf32> to vector<32x128xf32>
    %slice3A_131 = vector.extract_strided_slice %dot_general3A_127 {offsets = [96, 0], sizes = [32, 128], strides = [1, 1]} : vector<128x128xf32> to vector<32x128xf32>
    %slice3A_132 = vector.extract_strided_slice %get3A_3 {offsets = [2304, 0], sizes = [128, 128], strides = [1, 1]} : vector<4096x128xf32> to vector<128x128xf32>
    %dot_general3A_133 = arith.constant dense<0.000000e+00> : vector<128x128xf32>
    %dot_general3A_134 = tpu.matmul %slice3A_132, %convert_element_type3A_7, %dot_general3A_133 {dimension_numbers = #tpu.dot_dimension_numbers<[0], [0], [1], [1], [0, 1, 1, 1], [], []>, transpose_lhs_hint = false} : vector<128x128xf32>, vector<128x128xf32>, vector<128x128xf32> -> vector<128x128xf32>
    %slice3A_135 = vector.extract_strided_slice %dot_general3A_134 {offsets = [0, 0], sizes = [32, 128], strides = [1, 1]} : vector<128x128xf32> to vector<32x128xf32>
    %slice3A_136 = vector.extract_strided_slice %dot_general3A_134 {offsets = [32, 0], sizes = [32, 128], strides = [1, 1]} : vector<128x128xf32> to vector<32x128xf32>
    %slice3A_137 = vector.extract_strided_slice %dot_general3A_134 {offsets = [64, 0], sizes = [32, 128], strides = [1, 1]} : vector<128x128xf32> to vector<32x128xf32>
    %slice3A_138 = vector.extract_strided_slice %dot_general3A_134 {offsets = [96, 0], sizes = [32, 128], strides = [1, 1]} : vector<128x128xf32> to vector<32x128xf32>
    %slice3A_139 = vector.extract_strided_slice %get3A_3 {offsets = [2432, 0], sizes = [128, 128], strides = [1, 1]} : vector<4096x128xf32> to vector<128x128xf32>
    %dot_general3A_140 = arith.constant dense<0.000000e+00> : vector<128x128xf32>
    %dot_general3A_141 = tpu.matmul %slice3A_139, %convert_element_type3A_7, %dot_general3A_140 {dimension_numbers = #tpu.dot_dimension_numbers<[0], [0], [1], [1], [0, 1, 1, 1], [], []>, transpose_lhs_hint = false} : vector<128x128xf32>, vector<128x128xf32>, vector<128x128xf32> -> vector<128x128xf32>
    %slice3A_142 = vector.extract_strided_slice %dot_general3A_141 {offsets = [0, 0], sizes = [32, 128], strides = [1, 1]} : vector<128x128xf32> to vector<32x128xf32>
    %slice3A_143 = vector.extract_strided_slice %dot_general3A_141 {offsets = [32, 0], sizes = [32, 128], strides = [1, 1]} : vector<128x128xf32> to vector<32x128xf32>
    %slice3A_144 = vector.extract_strided_slice %dot_general3A_141 {offsets = [64, 0], sizes = [32, 128], strides = [1, 1]} : vector<128x128xf32> to vector<32x128xf32>
    %slice3A_145 = vector.extract_strided_slice %dot_general3A_141 {offsets = [96, 0], sizes = [32, 128], strides = [1, 1]} : vector<128x128xf32> to vector<32x128xf32>
    %slice3A_146 = vector.extract_strided_slice %get3A_3 {offsets = [2560, 0], sizes = [128, 128], strides = [1, 1]} : vector<4096x128xf32> to vector<128x128xf32>
    %dot_general3A_147 = arith.constant dense<0.000000e+00> : vector<128x128xf32>
    %dot_general3A_148 = tpu.matmul %slice3A_146, %convert_element_type3A_7, %dot_general3A_147 {dimension_numbers = #tpu.dot_dimension_numbers<[0], [0], [1], [1], [0, 1, 1, 1], [], []>, transpose_lhs_hint = false} : vector<128x128xf32>, vector<128x128xf32>, vector<128x128xf32> -> vector<128x128xf32>
    %slice3A_149 = vector.extract_strided_slice %dot_general3A_148 {offsets = [0, 0], sizes = [32, 128], strides = [1, 1]} : vector<128x128xf32> to vector<32x128xf32>
    %slice3A_150 = vector.extract_strided_slice %dot_general3A_148 {offsets = [32, 0], sizes = [32, 128], strides = [1, 1]} : vector<128x128xf32> to vector<32x128xf32>
    %slice3A_151 = vector.extract_strided_slice %dot_general3A_148 {offsets = [64, 0], sizes = [32, 128], strides = [1, 1]} : vector<128x128xf32> to vector<32x128xf32>
    %slice3A_152 = vector.extract_strided_slice %dot_general3A_148 {offsets = [96, 0], sizes = [32, 128], strides = [1, 1]} : vector<128x128xf32> to vector<32x128xf32>
    %slice3A_153 = vector.extract_strided_slice %get3A_3 {offsets = [2688, 0], sizes = [128, 128], strides = [1, 1]} : vector<4096x128xf32> to vector<128x128xf32>
    %dot_general3A_154 = arith.constant dense<0.000000e+00> : vector<128x128xf32>
    %dot_general3A_155 = tpu.matmul %slice3A_153, %convert_element_type3A_7, %dot_general3A_154 {dimension_numbers = #tpu.dot_dimension_numbers<[0], [0], [1], [1], [0, 1, 1, 1], [], []>, transpose_lhs_hint = false} : vector<128x128xf32>, vector<128x128xf32>, vector<128x128xf32> -> vector<128x128xf32>
    %slice3A_156 = vector.extract_strided_slice %dot_general3A_155 {offsets = [0, 0], sizes = [32, 128], strides = [1, 1]} : vector<128x128xf32> to vector<32x128xf32>
    %slice3A_157 = vector.extract_strided_slice %dot_general3A_155 {offsets = [32, 0], sizes = [32, 128], strides = [1, 1]} : vector<128x128xf32> to vector<32x128xf32>
    %slice3A_158 = vector.extract_strided_slice %dot_general3A_155 {offsets = [64, 0], sizes = [32, 128], strides = [1, 1]} : vector<128x128xf32> to vector<32x128xf32>
    %slice3A_159 = vector.extract_strided_slice %dot_general3A_155 {offsets = [96, 0], sizes = [32, 128], strides = [1, 1]} : vector<128x128xf32> to vector<32x128xf32>
    %slice3A_160 = vector.extract_strided_slice %get3A_3 {offsets = [2816, 0], sizes = [128, 128], strides = [1, 1]} : vector<4096x128xf32> to vector<128x128xf32>
    %dot_general3A_161 = arith.constant dense<0.000000e+00> : vector<128x128xf32>
    %dot_general3A_162 = tpu.matmul %slice3A_160, %convert_element_type3A_7, %dot_general3A_161 {dimension_numbers = #tpu.dot_dimension_numbers<[0], [0], [1], [1], [0, 1, 1, 1], [], []>, transpose_lhs_hint = false} : vector<128x128xf32>, vector<128x128xf32>, vector<128x128xf32> -> vector<128x128xf32>
    %slice3A_163 = vector.extract_strided_slice %dot_general3A_162 {offsets = [0, 0], sizes = [32, 128], strides = [1, 1]} : vector<128x128xf32> to vector<32x128xf32>
    %slice3A_164 = vector.extract_strided_slice %dot_general3A_162 {offsets = [32, 0], sizes = [32, 128], strides = [1, 1]} : vector<128x128xf32> to vector<32x128xf32>
    %slice3A_165 = vector.extract_strided_slice %dot_general3A_162 {offsets = [64, 0], sizes = [32, 128], strides = [1, 1]} : vector<128x128xf32> to vector<32x128xf32>
    %slice3A_166 = vector.extract_strided_slice %dot_general3A_162 {offsets = [96, 0], sizes = [32, 128], strides = [1, 1]} : vector<128x128xf32> to vector<32x128xf32>
    %slice3A_167 = vector.extract_strided_slice %get3A_3 {offsets = [2944, 0], sizes = [128, 128], strides = [1, 1]} : vector<4096x128xf32> to vector<128x128xf32>
    %dot_general3A_168 = arith.constant dense<0.000000e+00> : vector<128x128xf32>
    %dot_general3A_169 = tpu.matmul %slice3A_167, %convert_element_type3A_7, %dot_general3A_168 {dimension_numbers = #tpu.dot_dimension_numbers<[0], [0], [1], [1], [0, 1, 1, 1], [], []>, transpose_lhs_hint = false} : vector<128x128xf32>, vector<128x128xf32>, vector<128x128xf32> -> vector<128x128xf32>
    %slice3A_170 = vector.extract_strided_slice %dot_general3A_169 {offsets = [0, 0], sizes = [32, 128], strides = [1, 1]} : vector<128x128xf32> to vector<32x128xf32>
    %slice3A_171 = vector.extract_strided_slice %dot_general3A_169 {offsets = [32, 0], sizes = [32, 128], strides = [1, 1]} : vector<128x128xf32> to vector<32x128xf32>
    %slice3A_172 = vector.extract_strided_slice %dot_general3A_169 {offsets = [64, 0], sizes = [32, 128], strides = [1, 1]} : vector<128x128xf32> to vector<32x128xf32>
    %slice3A_173 = vector.extract_strided_slice %dot_general3A_169 {offsets = [96, 0], sizes = [32, 128], strides = [1, 1]} : vector<128x128xf32> to vector<32x128xf32>
    %slice3A_174 = vector.extract_strided_slice %get3A_3 {offsets = [3072, 0], sizes = [128, 128], strides = [1, 1]} : vector<4096x128xf32> to vector<128x128xf32>
    %dot_general3A_175 = arith.constant dense<0.000000e+00> : vector<128x128xf32>
    %dot_general3A_176 = tpu.matmul %slice3A_174, %convert_element_type3A_7, %dot_general3A_175 {dimension_numbers = #tpu.dot_dimension_numbers<[0], [0], [1], [1], [0, 1, 1, 1], [], []>, transpose_lhs_hint = false} : vector<128x128xf32>, vector<128x128xf32>, vector<128x128xf32> -> vector<128x128xf32>
    %slice3A_177 = vector.extract_strided_slice %dot_general3A_176 {offsets = [0, 0], sizes = [32, 128], strides = [1, 1]} : vector<128x128xf32> to vector<32x128xf32>
    %slice3A_178 = vector.extract_strided_slice %dot_general3A_176 {offsets = [32, 0], sizes = [32, 128], strides = [1, 1]} : vector<128x128xf32> to vector<32x128xf32>
    %slice3A_179 = vector.extract_strided_slice %dot_general3A_176 {offsets = [64, 0], sizes = [32, 128], strides = [1, 1]} : vector<128x128xf32> to vector<32x128xf32>
    %slice3A_180 = vector.extract_strided_slice %dot_general3A_176 {offsets = [96, 0], sizes = [32, 128], strides = [1, 1]} : vector<128x128xf32> to vector<32x128xf32>
    %slice3A_181 = vector.extract_strided_slice %get3A_3 {offsets = [3200, 0], sizes = [128, 128], strides = [1, 1]} : vector<4096x128xf32> to vector<128x128xf32>
    %dot_general3A_182 = arith.constant dense<0.000000e+00> : vector<128x128xf32>
    %dot_general3A_183 = tpu.matmul %slice3A_181, %convert_element_type3A_7, %dot_general3A_182 {dimension_numbers = #tpu.dot_dimension_numbers<[0], [0], [1], [1], [0, 1, 1, 1], [], []>, transpose_lhs_hint = false} : vector<128x128xf32>, vector<128x128xf32>, vector<128x128xf32> -> vector<128x128xf32>
    %slice3A_184 = vector.extract_strided_slice %dot_general3A_183 {offsets = [0, 0], sizes = [32, 128], strides = [1, 1]} : vector<128x128xf32> to vector<32x128xf32>
    %slice3A_185 = vector.extract_strided_slice %dot_general3A_183 {offsets = [32, 0], sizes = [32, 128], strides = [1, 1]} : vector<128x128xf32> to vector<32x128xf32>
    %slice3A_186 = vector.extract_strided_slice %dot_general3A_183 {offsets = [64, 0], sizes = [32, 128], strides = [1, 1]} : vector<128x128xf32> to vector<32x128xf32>
    %slice3A_187 = vector.extract_strided_slice %dot_general3A_183 {offsets = [96, 0], sizes = [32, 128], strides = [1, 1]} : vector<128x128xf32> to vector<32x128xf32>
    %slice3A_188 = vector.extract_strided_slice %get3A_3 {offsets = [3328, 0], sizes = [128, 128], strides = [1, 1]} : vector<4096x128xf32> to vector<128x128xf32>
    %dot_general3A_189 = arith.constant dense<0.000000e+00> : vector<128x128xf32>
    %dot_general3A_190 = tpu.matmul %slice3A_188, %convert_element_type3A_7, %dot_general3A_189 {dimension_numbers = #tpu.dot_dimension_numbers<[0], [0], [1], [1], [0, 1, 1, 1], [], []>, transpose_lhs_hint = false} : vector<128x128xf32>, vector<128x128xf32>, vector<128x128xf32> -> vector<128x128xf32>
    %slice3A_191 = vector.extract_strided_slice %dot_general3A_190 {offsets = [0, 0], sizes = [32, 128], strides = [1, 1]} : vector<128x128xf32> to vector<32x128xf32>
    %slice3A_192 = vector.extract_strided_slice %dot_general3A_190 {offsets = [32, 0], sizes = [32, 128], strides = [1, 1]} : vector<128x128xf32> to vector<32x128xf32>
    %slice3A_193 = vector.extract_strided_slice %dot_general3A_190 {offsets = [64, 0], sizes = [32, 128], strides = [1, 1]} : vector<128x128xf32> to vector<32x128xf32>
    %slice3A_194 = vector.extract_strided_slice %dot_general3A_190 {offsets = [96, 0], sizes = [32, 128], strides = [1, 1]} : vector<128x128xf32> to vector<32x128xf32>
    %slice3A_195 = vector.extract_strided_slice %get3A_3 {offsets = [3456, 0], sizes = [128, 128], strides = [1, 1]} : vector<4096x128xf32> to vector<128x128xf32>
    %dot_general3A_196 = arith.constant dense<0.000000e+00> : vector<128x128xf32>
    %dot_general3A_197 = tpu.matmul %slice3A_195, %convert_element_type3A_7, %dot_general3A_196 {dimension_numbers = #tpu.dot_dimension_numbers<[0], [0], [1], [1], [0, 1, 1, 1], [], []>, transpose_lhs_hint = false} : vector<128x128xf32>, vector<128x128xf32>, vector<128x128xf32> -> vector<128x128xf32>
    %slice3A_198 = vector.extract_strided_slice %dot_general3A_197 {offsets = [0, 0], sizes = [32, 128], strides = [1, 1]} : vector<128x128xf32> to vector<32x128xf32>
    %slice3A_199 = vector.extract_strided_slice %dot_general3A_197 {offsets = [32, 0], sizes = [32, 128], strides = [1, 1]} : vector<128x128xf32> to vector<32x128xf32>
    %slice3A_200 = vector.extract_strided_slice %dot_general3A_197 {offsets = [64, 0], sizes = [32, 128], strides = [1, 1]} : vector<128x128xf32> to vector<32x128xf32>
    %slice3A_201 = vector.extract_strided_slice %dot_general3A_197 {offsets = [96, 0], sizes = [32, 128], strides = [1, 1]} : vector<128x128xf32> to vector<32x128xf32>
    %slice3A_202 = vector.extract_strided_slice %get3A_3 {offsets = [3584, 0], sizes = [128, 128], strides = [1, 1]} : vector<4096x128xf32> to vector<128x128xf32>
    %dot_general3A_203 = arith.constant dense<0.000000e+00> : vector<128x128xf32>
    %dot_general3A_204 = tpu.matmul %slice3A_202, %convert_element_type3A_7, %dot_general3A_203 {dimension_numbers = #tpu.dot_dimension_numbers<[0], [0], [1], [1], [0, 1, 1, 1], [], []>, transpose_lhs_hint = false} : vector<128x128xf32>, vector<128x128xf32>, vector<128x128xf32> -> vector<128x128xf32>
    %slice3A_205 = vector.extract_strided_slice %dot_general3A_204 {offsets = [0, 0], sizes = [32, 128], strides = [1, 1]} : vector<128x128xf32> to vector<32x128xf32>
    %slice3A_206 = vector.extract_strided_slice %dot_general3A_204 {offsets = [32, 0], sizes = [32, 128], strides = [1, 1]} : vector<128x128xf32> to vector<32x128xf32>
    %slice3A_207 = vector.extract_strided_slice %dot_general3A_204 {offsets = [64, 0], sizes = [32, 128], strides = [1, 1]} : vector<128x128xf32> to vector<32x128xf32>
    %slice3A_208 = vector.extract_strided_slice %dot_general3A_204 {offsets = [96, 0], sizes = [32, 128], strides = [1, 1]} : vector<128x128xf32> to vector<32x128xf32>
    %slice3A_209 = vector.extract_strided_slice %get3A_3 {offsets = [3712, 0], sizes = [128, 128], strides = [1, 1]} : vector<4096x128xf32> to vector<128x128xf32>
    %dot_general3A_210 = arith.constant dense<0.000000e+00> : vector<128x128xf32>
    %dot_general3A_211 = tpu.matmul %slice3A_209, %convert_element_type3A_7, %dot_general3A_210 {dimension_numbers = #tpu.dot_dimension_numbers<[0], [0], [1], [1], [0, 1, 1, 1], [], []>, transpose_lhs_hint = false} : vector<128x128xf32>, vector<128x128xf32>, vector<128x128xf32> -> vector<128x128xf32>
    %slice3A_212 = vector.extract_strided_slice %dot_general3A_211 {offsets = [0, 0], sizes = [32, 128], strides = [1, 1]} : vector<128x128xf32> to vector<32x128xf32>
    %slice3A_213 = vector.extract_strided_slice %dot_general3A_211 {offsets = [32, 0], sizes = [32, 128], strides = [1, 1]} : vector<128x128xf32> to vector<32x128xf32>
    %slice3A_214 = vector.extract_strided_slice %dot_general3A_211 {offsets = [64, 0], sizes = [32, 128], strides = [1, 1]} : vector<128x128xf32> to vector<32x128xf32>
    %slice3A_215 = vector.extract_strided_slice %dot_general3A_211 {offsets = [96, 0], sizes = [32, 128], strides = [1, 1]} : vector<128x128xf32> to vector<32x128xf32>
    %slice3A_216 = vector.extract_strided_slice %get3A_3 {offsets = [3840, 0], sizes = [128, 128], strides = [1, 1]} : vector<4096x128xf32> to vector<128x128xf32>
    %dot_general3A_217 = arith.constant dense<0.000000e+00> : vector<128x128xf32>
    %dot_general3A_218 = tpu.matmul %slice3A_216, %convert_element_type3A_7, %dot_general3A_217 {dimension_numbers = #tpu.dot_dimension_numbers<[0], [0], [1], [1], [0, 1, 1, 1], [], []>, transpose_lhs_hint = false} : vector<128x128xf32>, vector<128x128xf32>, vector<128x128xf32> -> vector<128x128xf32>
    %slice3A_219 = vector.extract_strided_slice %dot_general3A_218 {offsets = [0, 0], sizes = [32, 128], strides = [1, 1]} : vector<128x128xf32> to vector<32x128xf32>
    %slice3A_220 = vector.extract_strided_slice %dot_general3A_218 {offsets = [32, 0], sizes = [32, 128], strides = [1, 1]} : vector<128x128xf32> to vector<32x128xf32>
    %slice3A_221 = vector.extract_strided_slice %dot_general3A_218 {offsets = [64, 0], sizes = [32, 128], strides = [1, 1]} : vector<128x128xf32> to vector<32x128xf32>
    %slice3A_222 = vector.extract_strided_slice %dot_general3A_218 {offsets = [96, 0], sizes = [32, 128], strides = [1, 1]} : vector<128x128xf32> to vector<32x128xf32>
    %slice3A_223 = vector.extract_strided_slice %get3A_3 {offsets = [3968, 0], sizes = [128, 128], strides = [1, 1]} : vector<4096x128xf32> to vector<128x128xf32>
    %dot_general3A_224 = arith.constant dense<0.000000e+00> : vector<128x128xf32>
    %dot_general3A_225 = tpu.matmul %slice3A_223, %convert_element_type3A_7, %dot_general3A_224 {dimension_numbers = #tpu.dot_dimension_numbers<[0], [0], [1], [1], [0, 1, 1, 1], [], []>, transpose_lhs_hint = false} : vector<128x128xf32>, vector<128x128xf32>, vector<128x128xf32> -> vector<128x128xf32>
    %slice3A_226 = vector.extract_strided_slice %dot_general3A_225 {offsets = [0, 0], sizes = [32, 128], strides = [1, 1]} : vector<128x128xf32> to vector<32x128xf32>
    %slice3A_227 = vector.extract_strided_slice %dot_general3A_225 {offsets = [32, 0], sizes = [32, 128], strides = [1, 1]} : vector<128x128xf32> to vector<32x128xf32>
    %slice3A_228 = vector.extract_strided_slice %dot_general3A_225 {offsets = [64, 0], sizes = [32, 128], strides = [1, 1]} : vector<128x128xf32> to vector<32x128xf32>
    %slice3A_229 = vector.extract_strided_slice %dot_general3A_225 {offsets = [96, 0], sizes = [32, 128], strides = [1, 1]} : vector<128x128xf32> to vector<32x128xf32>
    %concatenate3A = tpu.concatenate %slice3A_9, %slice3A_10, %slice3A_11, %slice3A_12, %slice3A_16, %slice3A_17, %slice3A_18, %slice3A_19, %slice3A_23, %slice3A_24, %slice3A_25, %slice3A_26, %slice3A_30, %slice3A_31, %slice3A_32, %slice3A_33, %slice3A_37, %slice3A_38, %slice3A_39, %slice3A_40, %slice3A_44, %slice3A_45, %slice3A_46, %slice3A_47, %slice3A_51, %slice3A_52, %slice3A_53, %slice3A_54, %slice3A_58, %slice3A_59, %slice3A_60, %slice3A_61, %slice3A_65, %slice3A_66, %slice3A_67, %slice3A_68, %slice3A_72, %slice3A_73, %slice3A_74, %slice3A_75, %slice3A_79, %slice3A_80, %slice3A_81, %slice3A_82, %slice3A_86, %slice3A_87, %slice3A_88, %slice3A_89, %slice3A_93, %slice3A_94, %slice3A_95, %slice3A_96, %slice3A_100, %slice3A_101, %slice3A_102, %slice3A_103, %slice3A_107, %slice3A_108, %slice3A_109, %slice3A_110, %slice3A_114, %slice3A_115, %slice3A_116, %slice3A_117, %slice3A_121, %slice3A_122, %slice3A_123, %slice3A_124, %slice3A_128, %slice3A_129, %slice3A_130, %slice3A_131, %slice3A_135, %slice3A_136, %slice3A_137, %slice3A_138, %slice3A_142, %slice3A_143, %slice3A_144, %slice3A_145, %slice3A_149, %slice3A_150, %slice3A_151, %slice3A_152, %slice3A_156, %slice3A_157, %slice3A_158, %slice3A_159, %slice3A_163, %slice3A_164, %slice3A_165, %slice3A_166, %slice3A_170, %slice3A_171, %slice3A_172, %slice3A_173, %slice3A_177, %slice3A_178, %slice3A_179, %slice3A_180, %slice3A_184, %slice3A_185, %slice3A_186, %slice3A_187, %slice3A_191, %slice3A_192, %slice3A_193, %slice3A_194, %slice3A_198, %slice3A_199, %slice3A_200, %slice3A_201, %slice3A_205, %slice3A_206, %slice3A_207, %slice3A_208, %slice3A_212, %slice3A_213, %slice3A_214, %slice3A_215, %slice3A_219, %slice3A_220, %slice3A_221, %slice3A_222, %slice3A_226, %slice3A_227, %slice3A_228, %slice3A_229 in 1 : vector<32x128xf32>, vector<32x128xf32>, vector<32x128xf32>, vector<32x128xf32>, vector<32x128xf32>, vector<32x128xf32>, vector<32x128xf32>, vector<32x128xf32>, vector<32x128xf32>, vector<32x128xf32>, vector<32x128xf32>, vector<32x128xf32>, vector<32x128xf32>, vector<32x128xf32>, vector<32x128xf32>, vector<32x128xf32>, vector<32x128xf32>, vector<32x128xf32>, vector<32x128xf32>, vector<32x128xf32>, vector<32x128xf32>, vector<32x128xf32>, vector<32x128xf32>, vector<32x128xf32>, vector<32x128xf32>, vector<32x128xf32>, vector<32x128xf32>, vector<32x128xf32>, vector<32x128xf32>, vector<32x128xf32>, vector<32x128xf32>, vector<32x128xf32>, vector<32x128xf32>, vector<32x128xf32>, vector<32x128xf32>, vector<32x128xf32>, vector<32x128xf32>, vector<32x128xf32>, vector<32x128xf32>, vector<32x128xf32>, vector<32x128xf32>, vector<32x128xf32>, vector<32x128xf32>, vector<32x128xf32>, vector<32x128xf32>, vector<32x128xf32>, vector<32x128xf32>, vector<32x128xf32>, vector<32x128xf32>, vector<32x128xf32>, vector<32x128xf32>, vector<32x128xf32>, vector<32x128xf32>, vector<32x128xf32>, vector<32x128xf32>, vector<32x128xf32>, vector<32x128xf32>, vector<32x128xf32>, vector<32x128xf32>, vector<32x128xf32>, vector<32x128xf32>, vector<32x128xf32>, vector<32x128xf32>, vector<32x128xf32>, vector<32x128xf32>, vector<32x128xf32>, vector<32x128xf32>, vector<32x128xf32>, vector<32x128xf32>, vector<32x128xf32>, vector<32x128xf32>, vector<32x128xf32>, vector<32x128xf32>, vector<32x128xf32>, vector<32x128xf32>, vector<32x128xf32>, vector<32x128xf32>, vector<32x128xf32>, vector<32x128xf32>, vector<32x128xf32>, vector<32x128xf32>, vector<32x128xf32>, vector<32x128xf32>, vector<32x128xf32>, vector<32x128xf32>, vector<32x128xf32>, vector<32x128xf32>, vector<32x128xf32>, vector<32x128xf32>, vector<32x128xf32>, vector<32x128xf32>, vector<32x128xf32>, vector<32x128xf32>, vector<32x128xf32>, vector<32x128xf32>, vector<32x128xf32>, vector<32x128xf32>, vector<32x128xf32>, vector<32x128xf32>, vector<32x128xf32>, vector<32x128xf32>, vector<32x128xf32>, vector<32x128xf32>, vector<32x128xf32>, vector<32x128xf32>, vector<32x128xf32>, vector<32x128xf32>, vector<32x128xf32>, vector<32x128xf32>, vector<32x128xf32>, vector<32x128xf32>, vector<32x128xf32>, vector<32x128xf32>, vector<32x128xf32>, vector<32x128xf32>, vector<32x128xf32>, vector<32x128xf32>, vector<32x128xf32>, vector<32x128xf32>, vector<32x128xf32>, vector<32x128xf32>, vector<32x128xf32>, vector<32x128xf32>, vector<32x128xf32>, vector<32x128xf32>, vector<32x128xf32>, vector<32x128xf32>, vector<32x128xf32> -> vector<32x16384xf32>
    %swap3A = arith.constant 0 : index
    %swap3A_230 = arith.constant 0 : index
    %swap3A_231 = arith.constant 0 : index
    %swap3A_232 = vector.load %arg3[%swap3A, %swap3A_230, %swap3A_231] : memref<1x32x16384xf32, #tpu.memory_space<vmem>>, vector<1x32x16384xf32>
    %swap3A_233 = vector.shape_cast %swap3A_232 : vector<1x32x16384xf32> to vector<32x16384xf32>
    %swap3A_234 = vector.shape_cast %concatenate3A : vector<32x16384xf32> to vector<1x32x16384xf32>
    tpu.vector_store %arg3[%swap3A, %swap3A_230, %swap3A_231], %swap3A_234 {strides = array<i32>} : memref<1x32x16384xf32, #tpu.memory_space<vmem>>, vector<1x32x16384xf32>,
    return
  }
  func.func @transform_0(%arg0: i32, %arg1: i32) -> (i32, i32, i32) {
    %c0_i32 = arith.constant 0 : i32
    %c0_i32_0 = arith.constant 0 : i32
    return %arg0, %arg1, %c0_i32 : i32, i32, i32
  }
  func.func @transform_1(%arg0: i32, %arg1: i32) -> (i32, i32, i32) {
    %c0_i32 = arith.constant 0 : i32
    %c0_i32_0 = arith.constant 0 : i32
    return %arg0, %c0_i32, %arg1 : i32, i32, i32
  }
}

</mosaic_0001>

<sc_bundles>
// kernel: kernel.5.cloned.1.call-start
scs
__scs_entry_jumppad:
0x0: {  	(pc) =	sbr.rel $0x88, $3  }
0x1: {  	(tag) =	ssettag $0x0;
	lr =	simm.s32 $0x1  }
0x2: {  	[smem:$0x3F9F] =	sst lr;
	_ =	strace $0xD0000000  }
0x3: {  	_ = 	snop  }
0x4: {  	_ = 	snop  }
0x5: {  	_ = 	snop  }
0x6: {  	_ = 	snop  }
0x7: {  	_ = 	snop  }
__scs_overlays_trampoline_lowered:
0x8: {  	[smem:$0x3FAE] =	sst s0  }
0x9: {  	[smem:$0x3FAF] =	sst s1  }
0xa: {  	[smem:$0x3FB0] =	sst s2  }
0xb: {  	[smem:$0x3FB1] =	sst s3  }
0xc: {  	[smem:$0x3FB2] =	sst s4  }
0xd: {  	[smem:$0x3FB3] =	sst s5  }
0xe: {  	[smem:$0x3FB4] =	sst s6  }
0xf: {  	[smem:$0x3FB5] =	sst s7  }
0x10: {  	[smem:$0x3FB6] =	sst s8  }
0x11: {  	[smem:$0x3FB7] =	sst s9;
	s0 =	simm.s32 @!p0 $0x0  }
0x12: {  	s1 =	sld [smem:$0x3F9D];
	s0 =	simm.s32 @p0 $0x1  }
0x13: {  	[smem:$0x3FB8] =	sst s0;
	s0 =	simm.s32 @!p1 $0x0  }
0x14: {  	s2 =	sld [smem:$0x3F9C];
	s0 =	simm.s32 @p1 $0x1  }
0x15: {  	[smem:$0x3FB9] =	sst s0;
	s0 =	simm.s32 @!p2 $0x0  }
0x16: {  	s3 =	sld [smem:$0x3FDB];
	s0 =	simm.s32 @p2 $0x1  }
0x17: {  	s4 =	simm.s32 $0x1BF5;
	[smem:$0x3FBB] =	sst s0  }
0x18: {  	s0 =	sld [smem:$0x3F9E];
	_ =	swait.ge [sflag:s4], $0x0  }
0x19: {  	s7 =	sld [smem:$0x3F9F]  }
0x1a: {  	s8 =	sadd.s32 $0xFFFFE003, lr  }
0x1b: {  	s9 =	sadd.s32 $0xFFFFFEF7, lr;
	s5 =	simm.s32 $0xFFFFFFFF;
	p2 =	slt.u32 s8, $0xFFFFF086  }
0x1c: {  	p1 =	slt.u32 s9, $0xF7A;
	s5 =	simm.s32 @!p2 $0x0  }
0x1d: {  	s5 =	simm.s32 @p1 $0x1;
	p0 =	seq.s32 s7, s2  }
0x1e: {  	s7 =	smul.u32 @!p0 $0xF7A, s2;
	p2 =	seq.s32 @!p0 s5, $0x0  }
0x1f: {  	s9 =	smul.u32 $0xF7A, s1;
	s8 =	simm.s32 @!p0 $0x1BF5;
	p2 =	por !p2, p0  }
0x20: {  	[sflag:s8] =	ssyncset.s32 @!p0 $0xFFFFF086;
	s6 =	sadd.s32 @!p0 s3, s7;
	s7 =	simm.s32 @!p0 $0x108  }
0x21: {  	s3 =	sadd.s32 s3, s9;
	s6 =	sadd.s32 @!p0 $0x88, s6;
	s7 =	simm.s32 @p2 $0x1082  }
0x22: {  	[simem:s7], [sflag:s8] =	dma.local @!p0 [hbm:s6], $0xF7A  }
0x23: {  	s9 =	sor.u32 $0xD0000000, s2;
	s6 =	simm.s32 $0x108;
	_ =	swait.ge @!p0 [sflag:s8], $0x0  }
0x24: {  	s3 =	sadd.s32 $0x88, s3;
	s6 =	simm.s32 @!p1 $0x1082;
	[sflag:s4] =	ssyncset.s32 $0xFFFFF086  }
0x25: {  	[simem:s6], [sflag:s4] =	dma.local [hbm:s3], $0xF7A  }
0x26: {  	[smem:$0x3F9F] =	sst s1;
	(tag) =	ssettag s2;
	_ =	strace s9  }
0x27: {  	s1 =	sld [smem:$0x3FAF]  }
0x28: {  	s2 =	sld [smem:$0x3FB0]  }
0x29: {  	s4 =	sld [smem:$0x3FB2]  }
0x2a: {  	p0 =	seq.s32 s5, $0x0;
	s5 =	sld [smem:$0x3FB3]  }
0x2b: {  	s6 =	sld [smem:$0x3FB4]  }
0x2c: {  	s7 =	sld [smem:$0x3FB5]  }
0x2d: {  	s3 =	simm.s32 $0x108;
	s8 =	sld [smem:$0x3FB6]  }
0x2e: {  	s3 =	simm.s32 @!p0 $0x1082;
	s9 =	sld [smem:$0x3FB7]  }
0x2f: {  	lr =	sadd.s32 s0, s3;
	s0 =	sld [smem:$0x3FAE]  }
0x30: {  	s3 =	sld [smem:$0x3FB1]  }
0x31: {  	[smem:$0x3FBA] =	sst s10  }
0x32: {  	s10 =	sld [smem:$0x3FB8];
	_ =	sdelay $0x3  }
0x33: {  	p0 =	seq.s32 s10, $0x1;
	s10 =	sld [smem:$0x3FBA];
	_ =	sdelay $0x3  }
0x34: {  	[smem:$0x3FBA] =	sst s10  }
0x35: {  	s10 =	sld [smem:$0x3FB9];
	_ =	sdelay $0x3  }
0x36: {  	p1 =	seq.s32 s10, $0x1;
	s10 =	sld [smem:$0x3FBA];
	_ =	sdelay $0x3  }
0x37: {  	[smem:$0x3FBA] =	sst s10  }
0x38: {  	s10 =	sld [smem:$0x3FBB]  }
0x39: {  	_ = 	snop;
	(pc) =	sbr.ind lr, $3  }
0x3a: {  	_ = 	snop  }
0x3b: {  	_ = 	snop  }
0x3c: {  	p2 =	seq.s32 s10, $0x1;
	s10 =	sld [smem:$0x3FBA]  }
0x3d: {  	_ =	shalt  }
0x3e: {  	_ =	shalt  }
0x3f: {  	_ =	shalt  }
0x40: {  	_ =	shalt  }
0x41: {  	_ =	shalt  }
0x42: {  	_ =	shalt  }
0x43: {  	_ =	shalt  }
0x44: {  	_ =	shalt  }
0x45: {  	_ =	shalt  }
0x46: {  	_ =	shalt  }
0x47: {  	_ =	shalt  }
0x48: {  	_ =	shalt  }
0x49: {  	_ =	shalt  }
0x4a: {  	_ =	shalt  }
0x4b: {  	_ =	shalt  }
0x4c: {  	_ =	shalt  }
0x4d: {  	_ =	shalt  }
0x4e: {  	_ =	shalt  }
0x4f: {  	_ =	shalt  }
0x50: {  	_ =	shalt  }
0x51: {  	_ =	shalt  }
0x52: {  	_ =	shalt  }
0x53: {  	_ =	shalt  }
0x54: {  	_ =	shalt  }
0x55: {  	_ =	shalt  }
0x56: {  	_ =	shalt  }
0x57: {  	_ =	shalt  }
0x58: {  	_ =	shalt  }
0x59: {  	_ =	shalt  }
0x5a: {  	_ =	shalt  }
0x5b: {  	_ =	shalt  }
0x5c: {  	_ =	shalt  }
0x5d: {  	_ =	shalt  }
0x5e: {  	_ =	shalt  }
0x5f: {  	_ =	shalt  }
0x60: {  	_ =	shalt  }
0x61: {  	_ =	shalt  }
0x62: {  	_ =	shalt  }
0x63: {  	_ =	shalt  }
0x64: {  	_ =	shalt  }
0x65: {  	_ =	shalt  }
0x66: {  	_ =	shalt  }
0x67: {  	_ =	shalt  }
0x68: {  	_ =	shalt  }
0x69: {  	_ =	shalt  }
0x6a: {  	_ =	shalt  }
0x6b: {  	_ =	shalt  }
0x6c: {  	_ =	shalt  }
0x6d: {  	_ =	shalt  }
0x6e: {  	_ =	shalt  }
0x6f: {  	_ =	shalt  }
0x70: {  	_ =	shalt  }
0x71: {  	_ =	shalt  }
0x72: {  	_ =	shalt  }
0x73: {  	_ =	shalt  }
0x74: {  	_ =	shalt  }
0x75: {  	_ =	shalt  }
0x76: {  	_ =	shalt  }
0x77: {  	_ =	shalt  }
0x78: {  	_ =	shalt  }
0x79: {  	_ =	shalt  }
0x7a: {  	_ =	shalt  }
0x7b: {  	_ =	shalt  }
0x7c: {  	_ =	shalt  }
0x7d: {  	_ =	shalt  }
0x7e: {  	_ =	shalt  }
0x7f: {  	_ =	shalt  }
0x80: {  	_ =	shalt  }
0x81: {  	_ =	shalt  }
0x82: {  	_ =	shalt  }
0x83: {  	_ =	shalt  }
0x84: {  	_ =	shalt  }
0x85: {  	_ =	shalt  }
0x86: {  	_ =	shalt  }
0x87: {  	_ =	shalt  }
.Lfunc_end0:
.L_simem_size_0:
called_computation_lowered:
.L_overlay_start_0:
0x88: {  	s2 =	sld [smem:$0x3FD9]  }
0x89: {  	s3 =	sld [smem:$0x3FFE];
	_ =	sdelay $0x1  }
0x8a: {  	s1 =	srdreg.scid  }
0x8b: {  	s0 =	sand.u32 $0x1, s1  }
0x8c: {  	s17 =	sshll.u32 s0, $0xA;
	s2 =	sadd.s32 s3, s2  }
0x8d: {  	s2 =	sadd.s32 s2, s17  }
0x8e: {  	[smem:$0x3FC6] =	sst s2  }
0x8f: {  	_ = 	snop  }
0x90: {  	s2 =	sld [smem:$0x3FD0];
	(tm) =	ssettm $0x1  }
0x91: {  	s18 =	sld [smem:$0x3FFB];
	_ =	sdelay $0x3  }
0x92: {  	_ =	strace s18  }
0x93: {  	s3 =	sld [smem:$0x3FFC];
	_ =	sdelay $0x3  }
0x94: {  	_ =	strace s3  }
0x95: {  	s3 =	sld [smem:$0x3FFD];
	_ =	sdelay $0x3  }
0x96: {  	_ =	strace s3  }
0x97: {  	_ =	strace $0x8FFFFFFF  }
0x98: {  	s19 =	sld [smem:$0x3FDB];
	_ =	sdelay $0x1  }
0x99: {  	s4 =	simm.s32 $_scs_section_size  }
0x9a: {  	s5 =	simm.s32 $_size__tile_overlayer_lowered;
	s6 =	simm.s32 $_tile_overlayer_lowered  }
0x9b: {  	s22 =	simm.s32 $0x1BFF;
	s21 =	sshll.u32 s6, $0x1;
	s3 =	sadd.s32 s4, s19  }
0x9c: {  	s7 =	simm.s32 $0x0;
	s20 =	sshll.u32 s5, $0x1;
	s5 =	sadd.s32 s21, s3  }
0x9d: {  	[timem:s7], [sflag:s22] =	dma.local [hbm:s5], s20  }
0x9e: {  	_ =	swait.ge [sflag:s22], s20  }
0x9f: {  	s4 =	ssub.s32 $0x0, s20;
	[sflag:s22] =	ssyncset.done $0x0  }
0xa0: {  	[sflag:s22] =	ssyncadd.s32 s4;
	_ =	sdelay $0x1  }
0xa1: {  	s23 =	simm.s32 $0x1B8B  }
0xa2: {  	_ =	swait.ge [sflag:s23], $0x1  }
0xa3: {  	[sflag:s23] =	ssyncset.done $0x0  }
0xa4: {  	s25 =	simm.s32 $0x1B8E;
	s24 =	sld [smem:$0x3FFE];
	[sflag:s23] =	ssyncadd.s32 $0xFFFFFFFF  }
0xa5: {  	s26 =	simm.s32 $execute0_lowered;
	[smem:$0x3FD2] =	sst s25  }
0xa6: {  	s5 =	sshll.u32 s26, $0x1;
	_ =	strace $0x80000046;
	[dreg:$0x1] =	wrdreg $0xFFFFFFFF  }
0xa7: {  	s28 =	simm.s32 $_size_execute0_lowered;
	s3 =	sadd.s32 s3, s5;
	[dreg:$0x0] =	wrdreg $0x0  }
0xa8: {  	s5 =	sshll.u32 s28, $0x1;
	[dreg:$0x2] =	wrdreg s3  }
0xa9: {  	[dreg:$0x3] =	wrdreg s5  }
0xaa: {  	[dreg:$0x4] =	wrdreg $0xC0  }
0xab: {  	_ =	task [dreg:s7], $0x5FFFF  }
0xac: {  	[dreg:$0x1] =	wrdreg $0xFFFFFFFF  }
0xad: {  	[dreg:$0x0] =	wrdreg $0x60  }
0xae: {  	[dreg:$0x2] =	wrdreg s2  }
0xaf: {  	[dreg:$0x3] =	wrdreg s24  }
0xb0: {  	[dreg:$0x4] =	wrdreg $0x9  }
0xb1: {  	_ =	task.clear_ibuf [dreg:s7], $0x5FFFF;
	_ =	strace $0x90000046  }
0xb2: {  	s29 =	simm.s32 $0x9;
	_ =	strace $0x80000048  }
0xb3: {  	_ =	swait.ge [sflag:s29], $0x1  }
0xb4: {  	[sflag:s29] =	ssyncadd.s32 $0xFFFFFFFF  }
0xb5: {  	_ =	strace $0x90000048  }
0xb6: {  	_ =	sfence  }
0xb7: {  	s30 =	sld [smem:$0x0];
	_ =	sdelay $0x2  }
0xb8: {  	s31 =	sshll.u32 s1, $0xD;
	s1 =	sshrl.u32 s1, $0x2  }
0xb9: {  	s3 =	sand.u32 $0x4000, s31;
	s1 =	sadd.s32 s1, s30  }
0xba: {  	s0 =	sor.u32 s3, s0;
	s1 =	sshll.u32 s1, $0x11  }
0xbb: {  	s0 =	sor.u32 s1, s0  }
0xbc: {  	s0 =	sadd.s32 $0x8F2B, s0  }
0xbd: {  	[sflag:s0] =	ssyncadd.remote.s32 $0x1  }
0xbe: {  	_ =	sfence.sel $0xFFFF  }
0xbf: {  	[dreg:$0x0] =	wrdreg $0xFFFFFFFF;
	(pc) =	sbr.abs _section_cstart, $3  }
0xc0: {  	[dreg:$0x1] =	wrdreg $0xFFFFFFFF  }
0xc1: {  	_ =	task.clear_ibuf [dreg:s7], $0x2FFFF;
	_ =	strace $0x9FFFFFFF  }
0xc2: {  	(tm) =	ssettm $0x7FFFFFFF  }
0xc3: {  	_ =	shalt  }
tec
execute0_lowered:
.L_overlay_start_1:
0x0: {  	(tag) =	ssettag $0x1  }
0x1: {  	s1 =	srdreg.scid;
	s0 =	stileid.u32  }
0x2: {  	s1 =	sand.u32 $0x1, s1;
	s2 =	sshll.u32 s0, $0x1  }
0x3: {  	s5 =	sor.u32 s1, s2  }
0x4: {  	s3 =	rddreg [dreg:$0x0];
	s6 =	smul.u32 $0x680, s5  }
0x5: {  	s4 =	rddreg [dreg:$0x1];
	s2 =	simm.s32 $0x0;
	s7 =	smul.u32 $0x68000, s5  }
0x6: {  	[smem:$0x7FF] =	sst s2;
	s5 =	smul.u32 $0xD000, s5  }
0x7: {  	s8 =	sadd.s32 $0x3E0400, s4;
	_ =	strace $0x80000047;
	s3 =	sadd.s32 s3, s6  }
0x8: {  	s17 =	sshrl.u32 s7, $0x3;
	s18 =	sadd.s32 s8, s5;
	[dreg:$0x3] =	wrdreg s3  }
0x9: {  	s31 =	sadd.s32 s8, s17;
	[dreg:$0x4] =	wrdreg s18  }
0xa: {  	s19 =	sadd.s32 $0x1000, s31;
	s25 =	rddreg [dreg:$0x3]  }
0xb: {  	s20 =	sadd.s32 $0x2000, s31;
	[dreg:$0x5] =	wrdreg s19  }
0xc: {  	s21 =	sadd.s32 $0x3000, s31;
	[dreg:$0x6] =	wrdreg s20  }
0xd: {  	s22 =	sadd.s32 $0x4000, s31;
	[dreg:$0x7] =	wrdreg s21  }
0xe: {  	s23 =	sadd.s32 $0x5000, s31;
	[dreg:$0x8] =	wrdreg s22  }
0xf: {  	s24 =	sadd.s32 $0x6000, s31;
	[dreg:$0x9] =	wrdreg s23  }
0x10: {  	s26 =	sadd.s32 $0x7000, s31;
	[dreg:$0xa] =	wrdreg s24  }
0x11: {  	s3 =	simm.s32 $0x7;
	[dreg:$0xb] =	wrdreg s26  }
0x12: {  	[tilespmem:s2], [sflag:$0x7] =	stream.linear.gather [hbm4b:s25+s2], $0x3400, $0x38;
	[tilespmem:$0x1B400] =	vst v63  }
0x13: {  	_ =	swait.ge [sflag:s3], $0x3400  }
0x14: {  	s4 =	sadd.s32 $0x400, s4;
	[sflag:s3] =	ssyncset.done $0x0  }
0x15: {  	s5 =	simm.s32 $0x400;
	s6 =	simm.s32 $0x3400;
	[sflag:s3] =	ssyncadd.s32 $0xFFFFCC00  }
0x16: {  	[tilespmem:s6], [sflag:$0x1] =	stream.indirect.gather [hbm4b:s4+s5], $0x20, s2, s5, $0xb8;
	[tilespmem:$0x1B400] =	vst v63  }
0x17: {  	s7 =	simm.s32 $0xB400;
	s8 =	simm.s32 $0x1  }
0x18: {  	[tilespmem:s7], [sflag:$0x2] =	stream.indirect.gather [hbm4b:s4+s5], $0x20, s5, s5, $0xb8;
	[tilespmem:$0x1B400] =	vst v63  }
0x19: {  	_ =	swait.ge [sflag:s8], $0x8000  }
0x1a: {  	[sflag:s8] =	ssyncset.done $0x0  }
0x1b: {  	s9 =	rddreg [dreg:$0x4];
	[sflag:s8] =	ssyncadd.s32 $0xFFFF8000  }
0x1c: {  	[hbm4b:s9+s2] =	stream.linear.scatter [tilespmem:s6], [sflag:$0x4], $0x8000, $0x38;
	[tilespmem:$0x1B400] =	vst v63  }
0x1d: {  	s10 =	simm.s32 $0x13400;
	s11 =	simm.s32 $0x2;
	s9 =	simm.s32 $0x800  }
0x1e: {  	[tilespmem:s10], [sflag:$0x3] =	stream.indirect.gather [hbm4b:s4+s5], $0x20, s9, s5, $0xb8;
	[tilespmem:$0x1B400] =	vst v63  }
0x1f: {  	_ =	swait.ge [sflag:s11], $0x8000  }
0x20: {  	[sflag:s11] =	ssyncset.done $0x0  }
0x21: {  	s12 =	simm.s32 $0x4;
	s13 =	rddreg [dreg:$0x5];
	[sflag:s11] =	ssyncadd.s32 $0xFFFF8000  }
0x22: {  	[hbm4b:s13+s2] =	stream.linear.scatter [tilespmem:s7], [sflag:$0x5], $0x8000, $0x38;
	[tilespmem:$0x1B400] =	vst v63  }
0x23: {  	_ =	swait.ge [sflag:s12], $0x8000  }
0x24: {  	[sflag:s12] =	ssyncset.done $0x0  }
0x25: {  	s14 =	simm.s32 $0x3;
	s13 =	simm.s32 $0xC00;
	[sflag:s12] =	ssyncadd.s32 $0xFFFF8000  }
0x26: {  	[tilespmem:s6], [sflag:$0x1] =	stream.indirect.gather [hbm4b:s4+s5], $0x20, s13, s5, $0xb8;
	[tilespmem:$0x1B400] =	vst v63  }
0x27: {  	_ =	swait.ge [sflag:s14], $0x8000  }
0x28: {  	[sflag:s14] =	ssyncset.done $0x0  }
0x29: {  	s15 =	simm.s32 $0x5;
	s16 =	rddreg [dreg:$0x6];
	[sflag:s14] =	ssyncadd.s32 $0xFFFF8000  }
0x2a: {  	[hbm4b:s16+s2] =	stream.linear.scatter [tilespmem:s10], [sflag:$0x6], $0x8000, $0x38;
	[tilespmem:$0x1B400] =	vst v63  }
0x2b: {  	_ =	swait.ge [sflag:s15], $0x8000  }
0x2c: {  	[sflag:s15] =	ssyncset.done $0x0  }
0x2d: {  	s16 =	simm.s32 $0x1000;
	[sflag:s15] =	ssyncadd.s32 $0xFFFF8000  }
0x2e: {  	[tilespmem:s7], [sflag:$0x2] =	stream.indirect.gather [hbm4b:s4+s5], $0x20, s16, s5, $0xb8;
	[tilespmem:$0x1B400] =	vst v63  }
0x2f: {  	_ =	swait.ge [sflag:s8], $0x8000  }
0x30: {  	[sflag:s8] =	ssyncset.done $0x0  }
0x31: {  	s17 =	simm.s32 $0x6;
	s18 =	rddreg [dreg:$0x7];
	[sflag:s8] =	ssyncadd.s32 $0xFFFF8000  }
0x32: {  	[hbm4b:s18+s2] =	stream.linear.scatter [tilespmem:s6], [sflag:$0x4], $0x8000, $0x38;
	[tilespmem:$0x1B400] =	vst v63  }
0x33: {  	_ =	swait.ge [sflag:s17], $0x8000  }
0x34: {  	[sflag:s17] =	ssyncset.done $0x0  }
0x35: {  	s18 =	simm.s32 $0x1400;
	[sflag:s17] =	ssyncadd.s32 $0xFFFF8000  }
0x36: {  	[tilespmem:s10], [sflag:$0x3] =	stream.indirect.gather [hbm4b:s4+s5], $0x20, s18, s5, $0xb8;
	[tilespmem:$0x1B400] =	vst v63  }
0x37: {  	_ =	swait.ge [sflag:s11], $0x8000  }
0x38: {  	[sflag:s11] =	ssyncset.done $0x0  }
0x39: {  	s19 =	rddreg [dreg:$0x8];
	[sflag:s11] =	ssyncadd.s32 $0xFFFF8000  }
0x3a: {  	[hbm4b:s19+s2] =	stream.linear.scatter [tilespmem:s7], [sflag:$0x5], $0x8000, $0x38;
	[tilespmem:$0x1B400] =	vst v63  }
0x3b: {  	_ =	swait.ge [sflag:s12], $0x8000  }
0x3c: {  	[sflag:s12] =	ssyncset.done $0x0  }
0x3d: {  	s19 =	simm.s32 $0x1800;
	[sflag:s12] =	ssyncadd.s32 $0xFFFF8000  }
0x3e: {  	[tilespmem:s6], [sflag:$0x1] =	stream.indirect.gather [hbm4b:s4+s5], $0x20, s19, s5, $0xb8;
	[tilespmem:$0x1B400] =	vst v63  }
0x3f: {  	_ =	swait.ge [sflag:s14], $0x8000  }
0x40: {  	[sflag:s14] =	ssyncset.done $0x0  }
0x41: {  	s20 =	rddreg [dreg:$0x9];
	[sflag:s14] =	ssyncadd.s32 $0xFFFF8000  }
0x42: {  	[hbm4b:s20+s2] =	stream.linear.scatter [tilespmem:s10], [sflag:$0x6], $0x8000, $0x38;
	[tilespmem:$0x1B400] =	vst v63  }
0x43: {  	_ =	swait.ge [sflag:s15], $0x8000  }
0x44: {  	[sflag:s15] =	ssyncset.done $0x0  }
0x45: {  	s20 =	simm.s32 $0x1C00;
	[sflag:s15] =	ssyncadd.s32 $0xFFFF8000  }
0x46: {  	[tilespmem:s7], [sflag:$0x2] =	stream.indirect.gather [hbm4b:s4+s5], $0x20, s20, s5, $0xb8;
	[tilespmem:$0x1B400] =	vst v63  }
0x47: {  	_ =	swait.ge [sflag:s8], $0x8000  }
0x48: {  	[sflag:s8] =	ssyncset.done $0x0  }
0x49: {  	s21 =	rddreg [dreg:$0xa];
	[sflag:s8] =	ssyncadd.s32 $0xFFFF8000  }
0x4a: {  	[hbm4b:s21+s2] =	stream.linear.scatter [tilespmem:s6], [sflag:$0x4], $0x8000, $0x38;
	[tilespmem:$0x1B400] =	vst v63  }
0x4b: {  	_ =	swait.ge [sflag:s17], $0x8000  }
0x4c: {  	[sflag:s17] =	ssyncset.done $0x0  }
0x4d: {  	s21 =	simm.s32 $0x2000;
	[sflag:s17] =	ssyncadd.s32 $0xFFFF8000  }
0x4e: {  	[tilespmem:s10], [sflag:$0x3] =	stream.indirect.gather [hbm4b:s4+s5], $0x20, s21, s5, $0xb8;
	[tilespmem:$0x1B400] =	vst v63  }
0x4f: {  	_ =	swait.ge [sflag:s11], $0x8000  }
0x50: {  	[sflag:s11] =	ssyncset.done $0x0  }
0x51: {  	s22 =	rddreg [dreg:$0xb];
	[sflag:s11] =	ssyncadd.s32 $0xFFFF8000  }
0x52: {  	[hbm4b:s22+s2] =	stream.linear.scatter [tilespmem:s7], [sflag:$0x5], $0x8000, $0x38;
	[tilespmem:$0x1B400] =	vst v63  }
0x53: {  	_ =	swait.ge [sflag:s12], $0x8000  }
0x54: {  	[sflag:s12] =	ssyncset.done $0x0  }
0x55: {  	s22 =	simm.s32 $0x2400;
	[sflag:s12] =	ssyncadd.s32 $0xFFFF8000  }
0x56: {  	[tilespmem:s6], [sflag:$0x1] =	stream.indirect.gather [hbm4b:s4+s5], $0x20, s22, s5, $0xb8;
	[tilespmem:$0x1B400] =	vst v63  }
0x57: {  	_ =	swait.ge [sflag:s14], $0x8000  }
0x58: {  	[sflag:s14] =	ssyncset.done $0x0  }
0x59: {  	s23 =	sadd.s32 $0x8000, s31;
	[sflag:s14] =	ssyncadd.s32 $0xFFFF8000  }
0x5a: {  	[hbm4b:s23+s2] =	stream.linear.scatter [tilespmem:s10], [sflag:$0x6], $0x8000, $0x38;
	[tilespmem:$0x1B400] =	vst v63  }
0x5b: {  	_ =	swait.ge [sflag:s15], $0x8000  }
0x5c: {  	[sflag:s15] =	ssyncset.done $0x0  }
0x5d: {  	s24 =	simm.s32 $0x2800;
	[sflag:s15] =	ssyncadd.s32 $0xFFFF8000  }
0x5e: {  	[tilespmem:s7], [sflag:$0x2] =	stream.indirect.gather [hbm4b:s4+s5], $0x20, s24, s5, $0xb8;
	[tilespmem:$0x1B400] =	vst v63  }
0x5f: {  	_ =	swait.ge [sflag:s8], $0x8000  }
0x60: {  	[sflag:s8] =	ssyncset.done $0x0  }
0x61: {  	s25 =	sadd.s32 $0x9000, s31;
	[sflag:s8] =	ssyncadd.s32 $0xFFFF8000  }
0x62: {  	[hbm4b:s25+s2] =	stream.linear.scatter [tilespmem:s6], [sflag:$0x4], $0x8000, $0x38;
	[tilespmem:$0x1B400] =	vst v63  }
0x63: {  	_ =	swait.ge [sflag:s17], $0x8000  }
0x64: {  	[sflag:s17] =	ssyncset.done $0x0  }
0x65: {  	s26 =	simm.s32 $0x2C00;
	[sflag:s17] =	ssyncadd.s32 $0xFFFF8000  }
0x66: {  	[tilespmem:s10], [sflag:$0x3] =	stream.indirect.gather [hbm4b:s4+s5], $0x20, s26, s5, $0xb8;
	[tilespmem:$0x1B400] =	vst v63  }
0x67: {  	_ =	swait.ge [sflag:s11], $0x8000  }
0x68: {  	[sflag:s11] =	ssyncset.done $0x0  }
0x69: {  	s28 =	sadd.s32 $0xA000, s31;
	[sflag:s11] =	ssyncadd.s32 $0xFFFF8000  }
0x6a: {  	[hbm4b:s28+s2] =	stream.linear.scatter [tilespmem:s7], [sflag:$0x5], $0x8000, $0x38;
	[tilespmem:$0x1B400] =	vst v63  }
0x6b: {  	_ =	swait.ge [sflag:s12], $0x8000  }
0x6c: {  	[sflag:s12] =	ssyncset.done $0x0  }
0x6d: {  	s29 =	simm.s32 $0x3000;
	[sflag:s12] =	ssyncadd.s32 $0xFFFF8000  }
0x6e: {  	[tilespmem:s6], [sflag:$0x1] =	stream.indirect.gather [hbm4b:s4+s5], $0x20, s29, s5, $0xb8;
	[tilespmem:$0x1B400] =	vst v63  }
0x6f: {  	_ =	swait.ge [sflag:s14], $0x8000  }
0x70: {  	[sflag:s14] =	ssyncset.done $0x0  }
0x71: {  	s30 =	sadd.s32 $0xB000, s31;
	[sflag:s14] =	ssyncadd.s32 $0xFFFF8000  }
0x72: {  	[hbm4b:s30+s2] =	stream.linear.scatter [tilespmem:s10], [sflag:$0x6], $0x8000, $0x38;
	[tilespmem:$0x1B400] =	vst v63  }
0x73: {  	s1 =	ssub.s32 $0x2, s1;
	_ =	swait.ge [sflag:s8], $0x8000  }
0x74: {  	s0 =	sshrl.u32 s1, $0x1;
	[sflag:s8] =	ssyncset.done $0x0  }
0x75: {  	s0 =	ssub.s32 s1, s0;
	s31 =	sadd.s32 $0xC000, s31;
	[sflag:s8] =	ssyncadd.s32 $0xFFFF8000  }
0x76: {  	[hbm4b:s31+s2] =	stream.linear.scatter [tilespmem:s6], [sflag:$0x4], $0x8000, $0x38;
	[tilespmem:$0x1B400] =	vst v63  }
0x77: {  	s0 =	smax.u32 s0, $0x1;
	_ =	swait.ge [sflag:s15], $0x8000  }
0x78: {  	p0 =	sne.s32 s0, $0x1;
	[sflag:s15] =	ssyncset.done $0x0  }
.Ltmp0:
0x79: {  	[sflag:s15] =	ssyncadd.s32 $0xFFFF8000;
	(pc) =	sbr.rel @!p0 .LBB2_2-.Ltmp0, $4  }
0x7a: {  	_ =	swait.ge [sflag:s17], $0x8000  }
0x7b: {  	[sflag:s17] =	ssyncset.done $0x0  }
0x7c: {  	[sflag:s17] =	ssyncadd.s32 $0xFFFF8000  }
0x7d: {  	s1 =	sadd.s32 $0xFFFFFFFF, s0;
	_ =	swait.ge [sflag:s12], $0x8000  }
.LBB2_1:
0x7e: {  	[sflag:s12] =	ssyncset.done $0x0  }
0x7f: {  	s0 =	rddreg [dreg:$0x3];
	[sflag:s12] =	ssyncadd.s32 $0xFFFF8000  }
0x80: {  	[tilespmem:s2], [sflag:$0x7] =	stream.linear.gather [hbm4b:s0+s2], $0x3400, $0x38;
	[tilespmem:$0x1B400] =	vst v63  }
0x81: {  	_ =	swait.ge [sflag:s3], $0x3400  }
0x82: {  	[sflag:s3] =	ssyncset.done $0x0  }
0x83: {  	[sflag:s3] =	ssyncadd.s32 $0xFFFFCC00  }
0x84: {  	[tilespmem:s6], [sflag:$0x1] =	stream.indirect.gather [hbm4b:s4+s5], $0x20, s2, s5, $0xb8;
	[tilespmem:$0x1B400] =	vst v63  }
0x85: {  	_ = 	snop  }
0x86: {  	[tilespmem:s7], [sflag:$0x2] =	stream.indirect.gather [hbm4b:s4+s5], $0x20, s5, s5, $0xb8;
	[tilespmem:$0x1B400] =	vst v63  }
0x87: {  	_ =	swait.ge [sflag:s8], $0x8000  }
0x88: {  	[sflag:s8] =	ssyncset.done $0x0  }
0x89: {  	s0 =	rddreg [dreg:$0x4];
	[sflag:s8] =	ssyncadd.s32 $0xFFFF8000  }
0x8a: {  	[hbm4b:s0+s2] =	stream.linear.scatter [tilespmem:s6], [sflag:$0x4], $0x8000, $0x38;
	[tilespmem:$0x1B400] =	vst v63  }
0x8b: {  	_ = 	snop  }
0x8c: {  	[tilespmem:s10], [sflag:$0x3] =	stream.indirect.gather [hbm4b:s4+s5], $0x20, s9, s5, $0xb8;
	[tilespmem:$0x1B400] =	vst v63  }
0x8d: {  	_ =	swait.ge [sflag:s11], $0x8000  }
0x8e: {  	[sflag:s11] =	ssyncset.done $0x0  }
0x8f: {  	s0 =	rddreg [dreg:$0x5];
	[sflag:s11] =	ssyncadd.s32 $0xFFFF8000  }
0x90: {  	[hbm4b:s0+s2] =	stream.linear.scatter [tilespmem:s7], [sflag:$0x5], $0x8000, $0x38;
	[tilespmem:$0x1B400] =	vst v63  }
0x91: {  	_ =	swait.ge [sflag:s12], $0x8000  }
0x92: {  	[sflag:s12] =	ssyncset.done $0x0  }
0x93: {  	[sflag:s12] =	ssyncadd.s32 $0xFFFF8000  }
0x94: {  	[tilespmem:s6], [sflag:$0x1] =	stream.indirect.gather [hbm4b:s4+s5], $0x20, s13, s5, $0xb8;
	[tilespmem:$0x1B400] =	vst v63  }
0x95: {  	_ =	swait.ge [sflag:s14], $0x8000  }
0x96: {  	[sflag:s14] =	ssyncset.done $0x0  }
0x97: {  	s0 =	rddreg [dreg:$0x6];
	[sflag:s14] =	ssyncadd.s32 $0xFFFF8000  }
0x98: {  	[hbm4b:s0+s2] =	stream.linear.scatter [tilespmem:s10], [sflag:$0x6], $0x8000, $0x38;
	[tilespmem:$0x1B400] =	vst v63  }
0x99: {  	_ =	swait.ge [sflag:s15], $0x8000  }
0x9a: {  	[sflag:s15] =	ssyncset.done $0x0  }
0x9b: {  	[sflag:s15] =	ssyncadd.s32 $0xFFFF8000  }
0x9c: {  	[tilespmem:s7], [sflag:$0x2] =	stream.indirect.gather [hbm4b:s4+s5], $0x20, s16, s5, $0xb8;
	[tilespmem:$0x1B400] =	vst v63  }
0x9d: {  	_ =	swait.ge [sflag:s8], $0x8000  }
0x9e: {  	[sflag:s8] =	ssyncset.done $0x0  }
0x9f: {  	s0 =	rddreg [dreg:$0x7];
	[sflag:s8] =	ssyncadd.s32 $0xFFFF8000  }
0xa0: {  	[hbm4b:s0+s2] =	stream.linear.scatter [tilespmem:s6], [sflag:$0x4], $0x8000, $0x38;
	[tilespmem:$0x1B400] =	vst v63  }
0xa1: {  	_ =	swait.ge [sflag:s17], $0x8000  }
0xa2: {  	[sflag:s17] =	ssyncset.done $0x0  }
0xa3: {  	[sflag:s17] =	ssyncadd.s32 $0xFFFF8000  }
0xa4: {  	[tilespmem:s10], [sflag:$0x3] =	stream.indirect.gather [hbm4b:s4+s5], $0x20, s18, s5, $0xb8;
	[tilespmem:$0x1B400] =	vst v63  }
0xa5: {  	_ =	swait.ge [sflag:s11], $0x8000  }
0xa6: {  	[sflag:s11] =	ssyncset.done $0x0  }
0xa7: {  	s0 =	rddreg [dreg:$0x8];
	[sflag:s11] =	ssyncadd.s32 $0xFFFF8000  }
0xa8: {  	[hbm4b:s0+s2] =	stream.linear.scatter [tilespmem:s7], [sflag:$0x5], $0x8000, $0x38;
	[tilespmem:$0x1B400] =	vst v63  }
0xa9: {  	_ =	swait.ge [sflag:s12], $0x8000  }
0xaa: {  	[sflag:s12] =	ssyncset.done $0x0  }
0xab: {  	[sflag:s12] =	ssyncadd.s32 $0xFFFF8000  }
0xac: {  	[tilespmem:s6], [sflag:$0x1] =	stream.indirect.gather [hbm4b:s4+s5], $0x20, s19, s5, $0xb8;
	[tilespmem:$0x1B400] =	vst v63  }
0xad: {  	_ =	swait.ge [sflag:s14], $0x8000  }
0xae: {  	[sflag:s14] =	ssyncset.done $0x0  }
0xaf: {  	s0 =	rddreg [dreg:$0x9];
	[sflag:s14] =	ssyncadd.s32 $0xFFFF8000  }
0xb0: {  	[hbm4b:s0+s2] =	stream.linear.scatter [tilespmem:s10], [sflag:$0x6], $0x8000, $0x38;
	[tilespmem:$0x1B400] =	vst v63  }
0xb1: {  	_ =	swait.ge [sflag:s15], $0x8000  }
0xb2: {  	[sflag:s15] =	ssyncset.done $0x0  }
0xb3: {  	[sflag:s15] =	ssyncadd.s32 $0xFFFF8000  }
0xb4: {  	[tilespmem:s7], [sflag:$0x2] =	stream.indirect.gather [hbm4b:s4+s5], $0x20, s20, s5, $0xb8;
	[tilespmem:$0x1B400] =	vst v63  }
0xb5: {  	_ =	swait.ge [sflag:s8], $0x8000  }
0xb6: {  	[sflag:s8] =	ssyncset.done $0x0  }
0xb7: {  	s0 =	rddreg [dreg:$0xa];
	[sflag:s8] =	ssyncadd.s32 $0xFFFF8000  }
0xb8: {  	[hbm4b:s0+s2] =	stream.linear.scatter [tilespmem:s6], [sflag:$0x4], $0x8000, $0x38;
	[tilespmem:$0x1B400] =	vst v63  }
0xb9: {  	_ =	swait.ge [sflag:s17], $0x8000  }
0xba: {  	[sflag:s17] =	ssyncset.done $0x0  }
0xbb: {  	[sflag:s17] =	ssyncadd.s32 $0xFFFF8000  }
0xbc: {  	[tilespmem:s10], [sflag:$0x3] =	stream.indirect.gather [hbm4b:s4+s5], $0x20, s21, s5, $0xb8;
	[tilespmem:$0x1B400] =	vst v63  }
0xbd: {  	_ =	swait.ge [sflag:s11], $0x8000  }
0xbe: {  	[sflag:s11] =	ssyncset.done $0x0  }
0xbf: {  	s0 =	rddreg [dreg:$0xb];
	[sflag:s11] =	ssyncadd.s32 $0xFFFF8000  }
0xc0: {  	[hbm4b:s0+s2] =	stream.linear.scatter [tilespmem:s7], [sflag:$0x5], $0x8000, $0x38;
	[tilespmem:$0x1B400] =	vst v63  }
0xc1: {  	_ =	swait.ge [sflag:s12], $0x8000  }
0xc2: {  	[sflag:s12] =	ssyncset.done $0x0  }
0xc3: {  	[sflag:s12] =	ssyncadd.s32 $0xFFFF8000  }
0xc4: {  	[tilespmem:s6], [sflag:$0x1] =	stream.indirect.gather [hbm4b:s4+s5], $0x20, s22, s5, $0xb8;
	[tilespmem:$0x1B400] =	vst v63  }
0xc5: {  	_ =	swait.ge [sflag:s14], $0x8000  }
0xc6: {  	[sflag:s14] =	ssyncset.done $0x0  }
0xc7: {  	[sflag:s14] =	ssyncadd.s32 $0xFFFF8000  }
0xc8: {  	[hbm4b:s23+s2] =	stream.linear.scatter [tilespmem:s10], [sflag:$0x6], $0x8000, $0x38;
	[tilespmem:$0x1B400] =	vst v63  }
0xc9: {  	_ =	swait.ge [sflag:s15], $0x8000  }
0xca: {  	[sflag:s15] =	ssyncset.done $0x0  }
0xcb: {  	[sflag:s15] =	ssyncadd.s32 $0xFFFF8000  }
0xcc: {  	[tilespmem:s7], [sflag:$0x2] =	stream.indirect.gather [hbm4b:s4+s5], $0x20, s24, s5, $0xb8;
	[tilespmem:$0x1B400] =	vst v63  }
0xcd: {  	_ =	swait.ge [sflag:s8], $0x8000  }
0xce: {  	[sflag:s8] =	ssyncset.done $0x0  }
0xcf: {  	[sflag:s8] =	ssyncadd.s32 $0xFFFF8000  }
0xd0: {  	[hbm4b:s25+s2] =	stream.linear.scatter [tilespmem:s6], [sflag:$0x4], $0x8000, $0x38;
	[tilespmem:$0x1B400] =	vst v63  }
0xd1: {  	_ =	swait.ge [sflag:s17], $0x8000  }
0xd2: {  	[sflag:s17] =	ssyncset.done $0x0  }
0xd3: {  	[sflag:s17] =	ssyncadd.s32 $0xFFFF8000  }
0xd4: {  	[tilespmem:s10], [sflag:$0x3] =	stream.indirect.gather [hbm4b:s4+s5], $0x20, s26, s5, $0xb8;
	[tilespmem:$0x1B400] =	vst v63  }
0xd5: {  	_ =	swait.ge [sflag:s11], $0x8000  }
0xd6: {  	[sflag:s11] =	ssyncset.done $0x0  }
0xd7: {  	[sflag:s11] =	ssyncadd.s32 $0xFFFF8000  }
0xd8: {  	[hbm4b:s28+s2] =	stream.linear.scatter [tilespmem:s7], [sflag:$0x5], $0x8000, $0x38;
	[tilespmem:$0x1B400] =	vst v63  }
0xd9: {  	_ =	swait.ge [sflag:s12], $0x8000  }
0xda: {  	[sflag:s12] =	ssyncset.done $0x0  }
0xdb: {  	[sflag:s12] =	ssyncadd.s32 $0xFFFF8000  }
0xdc: {  	[tilespmem:s6], [sflag:$0x1] =	stream.indirect.gather [hbm4b:s4+s5], $0x20, s29, s5, $0xb8;
	[tilespmem:$0x1B400] =	vst v63  }
0xdd: {  	_ =	swait.ge [sflag:s14], $0x8000  }
0xde: {  	[sflag:s14] =	ssyncset.done $0x0  }
0xdf: {  	[sflag:s14] =	ssyncadd.s32 $0xFFFF8000  }
0xe0: {  	[hbm4b:s30+s2] =	stream.linear.scatter [tilespmem:s10], [sflag:$0x6], $0x8000, $0x38;
	[tilespmem:$0x1B400] =	vst v63  }
0xe1: {  	_ =	swait.ge [sflag:s8], $0x8000  }
0xe2: {  	[sflag:s8] =	ssyncset.done $0x0  }
0xe3: {  	[sflag:s8] =	ssyncadd.s32 $0xFFFF8000  }
0xe4: {  	[hbm4b:s31+s2] =	stream.linear.scatter [tilespmem:s6], [sflag:$0x4], $0x8000, $0x38;
	[tilespmem:$0x1B400] =	vst v63  }
0xe5: {  	_ =	swait.ge [sflag:s15], $0x8000  }
0xe6: {  	p0 =	sne.s32 s1, $0x1;
	[sflag:s15] =	ssyncset.done $0x0  }
.Ltmp1:
0xe7: {  	[sflag:s15] =	ssyncadd.s32 $0xFFFF8000;
	(pc) =	sbr.rel @p0 .LBB2_1-.Ltmp1, $4  }
0xe8: {  	_ =	swait.ge [sflag:s17], $0x8000  }
0xe9: {  	[sflag:s17] =	ssyncset.done $0x0  }
0xea: {  	[sflag:s17] =	ssyncadd.s32 $0xFFFF8000  }
0xeb: {  	s1 =	sadd.s32 $0xFFFFFFFF, s1;
	_ =	swait.ge [sflag:s12], $0x8000  }
.LBB2_2:
0xec: {  	[sflag:s12] =	ssyncset.done $0x0  }
0xed: {  	[sflag:s12] =	ssyncadd.s32 $0xFFFF8000  }
0xee: {  	_ =	sfence.sel $0x180000  }
0xef: {  	[bflag:$0x0] =	sbarrier.arrive $0xFFFF  }
0xf0: {  	_ =	strace $0x90000047  }
0xf1: {  	s0 =	stileid.u32;
	[bflag:$0x2] =	sbarrier.arrive $0xFFFF  }
0xf2: {  	p0 =	sne.s32 s0, $0x0;
	s0 =	rddreg [dreg:$0x2]  }
0xf3: {  	s0 =	sadd.s32 @!p0 $0x100000, s0  }
0xf4: {  	[sflag:s0] =	ssyncadd.tile.s32 @!p0 $0x1;
	_ =	shalt  }
.Lfunc_end2:
_tile_overlayer_lowered:
.L_overlay_start_2:
0xf5: {  	(tag) =	ssettag $0x2  }
0xf6: {  	s0 =	rddreg [dreg:$0x0];
	s2 =	stileid.u32  }
0xf7: {  	s1 =	rddreg [dreg:$0x1];
	p0 =	sne.s32 s2, $0x0  }
0xf8: {  	s3 =	rddreg [dreg:$0x2];
	[bflag:$0x3] =	sbarrier.arrive $0xFFFF;
	s2 =	simm.s32 @!p0 $0x1C07  }
0xf9: {  	[timem:s3], [sflag:s2] =	dma.local @!p0 [hbm:s0], s1  }
0xfa: {  	s0 =	simm.s32 @!p0 $0x7  }
0xfb: {  	_ =	swait.ge @!p0 [sflag:s0], s1  }
0xfc: {  	s1 =	ssub.s32 @!p0 $0x0, s1;
	[sflag:s0] =	ssyncset.done @!p0 $0x0  }
0xfd: {  	[sflag:s0] =	ssyncadd.s32 @!p0 s1  }
0xfe: {  	[bflag:$0x3] =	sbarrier.arrive $0xFFFF  }
0xff: {  	_ =	shalt  }

</sc_bundles>
